<compile_context>
chip_gen: v7x
topology: tpu7x:2x2x1
jax: 0.10.2.dev20260603
libtpu: 0.0.44.dev20260713+nightly
codegen_flags: <defaults>
</compile_context>

<pallas_src>
import functools

import jax
import jax.numpy as jnp
from jax import lax
from jax.experimental import pallas as pl
from jax.experimental.pallas import tpu as pltpu
from jax.experimental.pallas import tpu_sc as plsc

N_NODES = 10000
N_EDGES = 320000
FDIM = 16
W = 128
NC = 2
NS = 16
EDGES_PER_CORE = N_EDGES // NC
EDGES_PER_TILE = EDGES_PER_CORE // NS
CH = 160
CHS = 40
NSUB = CH // CHS
NL = 6
NSC = 2
N_CHUNKS_F = EDGES_PER_TILE // CH
N_TAIL_EDGES = EDGES_PER_TILE - N_CHUNKS_F * CH
N_CHUNKS = N_CHUNKS_F + 1
N_PAD = 10240
ROWS_PER_TILE = N_PAD // NS


def _sc_scatter_partials(dst, edge_attr):
    mesh = plsc.VectorSubcoreMesh(core_axis_name="c", subcore_axis_name="s")
    out_type = jax.ShapeDtypeStruct((NC, N_PAD, W), jnp.float32)

    scratch = [
        pltpu.VMEM_SHARED((N_PAD, W), jnp.float32),
        pltpu.VMEM((NL * CH,), jnp.int32),
        pltpu.VMEM((NL * CH * FDIM,), jnp.float32),
        pltpu.VMEM((CHS,), jnp.int32),
        pltpu.VMEM((CHS,), jnp.int32),
        pltpu.VMEM((CHS, W), jnp.float32),
        pltpu.VMEM((CHS, W), jnp.float32),
        pltpu.SemaphoreType.DMA((NL,)),
        pltpu.SemaphoreType.DMA,
        pltpu.SemaphoreType.DMA,
    ]

    @functools.partial(pl.kernel, out_type=out_type, mesh=mesh,
                       scratch_types=scratch)
    def scatter_kernel(dst_hbm, attr_hbm, pacc_hbm, acc_sh,
                       idx_all, attr_all, sidx0, sidx1, stage0, stage1,
                       sem_load, sem_s0, sem_s1):
        sidx_v = (sidx0, sidx1)
        stage_v = (stage0, stage1)
        sem_scat = (sem_s0, sem_s1)

        c = lax.axis_index("c")
        s = lax.axis_index("s")

        zv = jnp.zeros((16,), jnp.float32)

        @pl.loop(0, CHS)
        def _(e):
            @pl.loop(0, W // 16)
            def _(j):
                stage_v[0][e, pl.ds(j * 16, 16)] = zv

        row0 = s * ROWS_PER_TILE

        @pl.loop(0, ROWS_PER_TILE // CHS)
        def _(b):
            pltpu.sync_copy(stage_v[0], acc_sh.at[pl.ds(row0 + b * CHS, CHS)])

        lane = lax.iota(jnp.int32, 16)
        onehot = jnp.where(lane == 0, 1.0, 0.0).astype(jnp.float32)
        for b in range(NSC):
            @pl.loop(0, CHS)
            def _(e, b=b):
                stage_v[b][e, pl.ds(16, 16)] = onehot
                if b != 0:
                    @pl.loop(2, W // 16)
                    def _(j):
                        stage_v[b][e, pl.ds(j * 16, 16)] = zv

        plsc.subcore_barrier()

        wid = c * NS + s
        base = wid * EDGES_PER_TILE

        def fire_loads(k, slot):
            off = base + k * CH
            loc = slot * CH
            pltpu.async_copy(dst_hbm.at[pl.ds(off, CH)],
                             idx_all.at[pl.ds(loc, CH)], sem_load.at[slot])
            pltpu.async_copy(attr_hbm.at[pl.ds(off * FDIM, CH * FDIM)],
                             attr_all.at[pl.ds(loc * FDIM, CH * FDIM)],
                             sem_load.at[slot])

        def wait_loads(slot):
            loc = slot * CH
            pltpu.make_async_copy(dst_hbm.at[pl.ds(0, CH)],
                                  idx_all.at[pl.ds(loc, CH)],
                                  sem_load.at[slot]).wait()
            pltpu.make_async_copy(attr_hbm.at[pl.ds(0, CH * FDIM)],
                                  attr_all.at[pl.ds(loc * FDIM, CH * FDIM)],
                                  sem_load.at[slot]).wait()

        def wait_scatter(h):
            pltpu.make_async_copy(stage_v[h], acc_sh.at[sidx_v[h]],
                                  sem_scat[h]).wait()

        @pl.loop(0, NL)
        def _(b):
            fire_loads(b, b)

        @pl.loop(0, N_CHUNKS)
        def _(k):
            slot = lax.rem(k, NL)
            loc = slot * CH
            wait_loads(slot)
            for h in range(NSUB):
                sb = h % NSC

                def sub_chunk(k=k, h=h, sb=sb, loc=loc):
                    e0 = loc + h * CHS
                    sidx_v[sb][pl.ds(0, 16)] = idx_all[pl.ds(e0, 16)]
                    sidx_v[sb][pl.ds(16, 16)] = idx_all[pl.ds(e0 + 16, 16)]
                    sidx_v[sb][pl.ds(CHS - 16, 16)] = (
                        idx_all[pl.ds(e0 + CHS - 16, 16)])

                    @pl.loop(0, CHS)
                    def _(r):
                        stage_v[sb][r, pl.ds(0, 16)] = (
                            attr_all[pl.ds((e0 + r) * FDIM, 16)])

                    pltpu.async_copy(stage_v[sb], acc_sh.at[sidx_v[sb]],
                                     sem_scat[sb], add=True)

                if h < NSC:
                    @pl.when(k > 0)
                    def _(sb=sb):
                        wait_scatter(sb)
                    sub_chunk()
                else:
                    @pl.when(k < N_CHUNKS_F)
                    def _(sub_chunk=sub_chunk, sb=sb):
                        wait_scatter(sb)
                        sub_chunk()

            @pl.when(k + NL < N_CHUNKS)
            def _():
                fire_loads(k + NL, slot)

        for h in range(NSC):
            wait_scatter(h)

        plsc.subcore_barrier()
        pltpu.sync_copy(acc_sh.at[pl.ds(row0, ROWS_PER_TILE)],
                        pacc_hbm.at[c, pl.ds(row0, ROWS_PER_TILE)])

    return scatter_kernel(dst, edge_attr)


def _divide_body(pa_ref, o_ref):
    s = pa_ref[0] + pa_ref[1]
    cnt = jnp.maximum(s[:, 16:17], 1.0)
    o_ref[...] = s / cnt


def _tc_combine_divide(pacc):
    out = pl.pallas_call(
        _divide_body,
        out_shape=jax.ShapeDtypeStruct((N_PAD, W), jnp.float32),
    )(pacc)
    return out[:N_NODES, :FDIM]


def kernel(x, edge_index, edge_attr):
    del x
    dst = edge_index[1]
    dst = jnp.concatenate([dst, jnp.zeros((N_TAIL_EDGES,), dst.dtype)])
    edge_attr = jnp.concatenate(
        [edge_attr, jnp.zeros((N_TAIL_EDGES, FDIM), edge_attr.dtype)])
    pacc = _sc_scatter_partials(dst, edge_attr.reshape(-1))
    return _tc_combine_divide(pacc)

# --- scband reference (transcript-rebuilt; emitter-appended) ---
"""Pipeline reference for scband-node-spatial-derivative-16939351015511 (READ-ONLY COPY).

The authoritative reference and input builder live on the scoring server;
editing this copy changes nothing except your own understanding.
"""

import jax, jax.numpy as jnp
import numpy as np


def setup_inputs(seed: int = 0) -> dict:
    key = jax.random.key(seed)
    k1, k2, k3 = jax.random.split(key, 3)
    x = jax.random.normal(k1, (10000, 128), dtype=jnp.float32)
    edge_index = jax.random.randint(k2, (2, 320000), 0, 10000, dtype=jnp.int32)
    edge_attr = jax.random.normal(k3, (320000, 16), dtype=jnp.float32)
    return {"x": x, "edge_index": edge_index, "edge_attr": edge_attr}


def reference(x, edge_index, edge_attr):
    # scatter_mean(edge_attr, edge_index[1], dim=0, dim_size=nb_node)
    nb_node = x.shape[0]
    dst = edge_index[1]
    sums = jax.ops.segment_sum(edge_attr, dst, num_segments=nb_node)
    ones = jnp.ones((edge_attr.shape[0], 1), dtype=edge_attr.dtype)
    counts = jax.ops.segment_sum(ones, dst, num_segments=nb_node)
    counts = jnp.maximum(counts, 1.0)  # scatter_mean yields 0 for empty segments
    derivative = sums / counts
    return derivative

if __name__ == "__main__":
    import jax
    _d = setup_inputs()
    print(jax.jit(kernel)(*tuple(_d.values())))

</pallas_src>

<mosaic_0001>
#map = affine_map<(d0, d1) -> (0)>
#map1 = affine_map<(d0, d1) -> (0, 0, 0)>
module attributes {stable_mosaic.version = 14 : i64} {
  func.func @scatter_kernel(%arg0: i32, %arg1: i32, %arg2: memref<320080xi32, #tpu.memory_space<hbm>>, %arg3: memref<5121280xf32, #tpu.memory_space<hbm>>, %arg4: memref<2x10240x128xf32, #tpu.memory_space<hbm>>, %arg5: memref<10240x128xf32, #tpu.memory_space<vmem_shared>>, %arg6: memref<960xi32, #tpu.memory_space<vmem>>, %arg7: memref<15360xf32, #tpu.memory_space<vmem>>, %arg8: memref<40xi32, #tpu.memory_space<vmem>>, %arg9: memref<40xi32, #tpu.memory_space<vmem>>, %arg10: memref<40x128xf32, #tpu.memory_space<vmem>>, %arg11: memref<40x128xf32, #tpu.memory_space<vmem>>, %arg12: memref<6x!tpu.dma_semaphore, #tpu.memory_space<semaphore_mem>>, %arg13: memref<!tpu.dma_semaphore, #tpu.memory_space<semaphore_mem>>, %arg14: memref<!tpu.dma_semaphore, #tpu.memory_space<semaphore_mem>>) attributes {dimension_semantics = [#tpu.dimension_semantics<core_parallel>, #tpu.dimension_semantics<subcore_parallel>], iteration_bounds = array<i64: 2, 16>, scalar_prefetch = 0 : i64, scratch_operands = 10 : i64, tpu.core_type = #tpu.core_type<sc_vector_subcore>, window_params = [{transform_indices = #map}, {transform_indices = #map}, {transform_indices = #map1}]} {
    %broadcast_in_dim3A = arith.constant 0.000000e+00 : f32
    %broadcast_in_dim3A_0 = vector.broadcast %broadcast_in_dim3A : f32 to vector<16xf32>
    %scan3A = arith.constant 0 : i32
    %scan3A_1 = arith.constant 40 : i32
    %scan3A_2 = arith.addi %scan3A, %scan3A_1 : i32
    %scan3A_3 = arith.constant 1 : i32
    scf.for %scan3A_46 = %scan3A to %scan3A_2 step %scan3A_3  : i32 {
      %mul3A_47 = arith.constant 1 : i32
      %mul3A_48 = arith.muli %scan3A_46, %mul3A_47 : i32
      %add3A_49 = arith.constant 0 : i32
      %add3A_50 = arith.addi %add3A_49, %mul3A_48 : i32
      %scan3A_51 = arith.constant 0 : i32
      %scan3A_52 = arith.constant 8 : i32
      %scan3A_53 = arith.addi %scan3A_51, %scan3A_52 : i32
      %scan3A_54 = arith.constant 1 : i32
      scf.for %scan3A_56 = %scan3A_51 to %scan3A_53 step %scan3A_54  : i32 {
        %mul3A_57 = arith.constant 1 : i32
        %mul3A_58 = arith.muli %scan3A_56, %mul3A_57 : i32
        %add3A_59 = arith.constant 0 : i32
        %add3A_60 = arith.addi %add3A_59, %mul3A_58 : i32
        %mul3A_61 = arith.constant 16 : i32
        %mul3A_62 = arith.muli %add3A_60, %mul3A_61 : i32
        %swap3A = arith.index_cast %add3A_50 : i32 to index
        %swap3A_63 = arith.index_cast %mul3A_62 : i32 to index
        %swap3A_64 = tpu.vector_load %arg10[%swap3A, %swap3A_63] {strides = array<i32>} : memref<40x128xf32, #tpu.memory_space<vmem>>, vector<1x16xf32>,
        %swap3A_65 = vector.shape_cast %swap3A_64 : vector<1x16xf32> to vector<16xf32>
        %swap3A_66 = vector.shape_cast %broadcast_in_dim3A_0 : vector<16xf32> to vector<1x16xf32>
        tpu.vector_store %arg10[%swap3A, %swap3A_63], %swap3A_66 {strides = array<i32>} : memref<40x128xf32, #tpu.memory_space<vmem>>, vector<1x16xf32>,
      }
      %scan3A_55 = arith.constant 8 : i32
    }
    %scan3A_4 = arith.constant 40 : i32
    %mul3A = arith.constant 640 : i32
    %mul3A_5 = arith.muli %arg1, %mul3A : i32
    %scan3A_6 = arith.constant 0 : i32
    %scan3A_7 = arith.constant 16 : i32
    %scan3A_8 = arith.addi %scan3A_6, %scan3A_7 : i32
    %scan3A_9 = arith.constant 1 : i32
    scf.for %scan3A_46 = %scan3A_6 to %scan3A_8 step %scan3A_9  : i32 {
      %mul3A_47 = arith.constant 1 : i32
      %mul3A_48 = arith.muli %scan3A_46, %mul3A_47 : i32
      %add3A_49 = arith.constant 0 : i32
      %add3A_50 = arith.addi %add3A_49, %mul3A_48 : i32
      %mul3A_51 = arith.constant 40 : i32
      %mul3A_52 = arith.muli %add3A_50, %mul3A_51 : i32
      %add3A_53 = arith.addi %mul3A_5, %mul3A_52 : i32
      "tpu.region"() ({
        %run_scoped3A = tpu.sem_alloc : memref<!tpu.dma_semaphore, #tpu.memory_space<semaphore_mem>>
        %dma_start3A = arith.constant 0 : i32
        %dma_start3A_54 = tpu.memref_slice %arg5[%add3A_53, %dma_start3A] : memref<10240x128xf32, #tpu.memory_space<vmem_shared>> -> memref<40x128xf32, #tpu.memory_space<vmem_shared>>
        %dma_start3A_55 = arith.constant 0 : i32
        %dma_start3A_56 = tpu.memref_slice %arg5[%add3A_53, %dma_start3A_55] : memref<10240x128xf32, #tpu.memory_space<vmem_shared>> -> memref<40x128xf32, #tpu.memory_space<vmem_shared>>
        tpu.enqueue_dma source(%arg10 : memref<40x128xf32, #tpu.memory_space<vmem>>) target(%dma_start3A_56 : memref<40x128xf32, #tpu.memory_space<vmem_shared>>) target_semaphore(%run_scoped3A : memref<!tpu.dma_semaphore, #tpu.memory_space<semaphore_mem>>)
        %dma_wait3A_57 = arith.constant 0 : i32
        %dma_wait3A_58 = tpu.memref_slice %arg5[%add3A_53, %dma_wait3A_57] : memref<10240x128xf32, #tpu.memory_space<vmem_shared>> -> memref<40x128xf32, #tpu.memory_space<vmem_shared>>
        %dma_wait3A_59 = arith.constant 0 : i32
        %dma_wait3A_60 = tpu.memref_slice %arg5[%add3A_53, %dma_wait3A_59] : memref<10240x128xf32, #tpu.memory_space<vmem_shared>> -> memref<40x128xf32, #tpu.memory_space<vmem_shared>>
        tpu.wait_dma2 semaphore(%run_scoped3A : memref<!tpu.dma_semaphore, #tpu.memory_space<semaphore_mem>>) src(%arg10 : memref<40x128xf32, #tpu.memory_space<vmem>>) dst(%dma_wait3A_60 : memref<40x128xf32, #tpu.memory_space<vmem_shared>>)
        tpu.yield
      }) : () -> ()
    }
    %scan3A_10 = arith.constant 16 : i32
    %iota3A = tpu.iota {dimensions = array<i32: 0>} : vector<16xi32>
    %eq3A = arith.constant 0 : i32
    %eq3A_11 = vector.broadcast %eq3A : i32 to vector<16xi32>
    %eq3A_12 = arith.cmpi eq, %iota3A, %eq3A_11 : vector<16xi32>
    %jit3A = arith.constant 1.000000e+00 : f32
    %jit3A_13 = arith.constant 0.000000e+00 : f32
    %broadcast_in_dim3A_14 = vector.broadcast %jit3A : f32 to vector<16xf32>
    %broadcast_in_dim3A_15 = vector.broadcast %jit3A_13 : f32 to vector<16xf32>
    %select_n3A = arith.select %eq3A_12, %broadcast_in_dim3A_14, %broadcast_in_dim3A_15 : vector<16xi1>, vector<16xf32>
    %scan3A_16 = arith.constant 0 : i32
    %scan3A_17 = arith.constant 40 : i32
    %scan3A_18 = arith.addi %scan3A_16, %scan3A_17 : i32
    %scan3A_19 = arith.constant 1 : i32
    scf.for %scan3A_46 = %scan3A_16 to %scan3A_18 step %scan3A_19  : i32 {
      %mul3A_47 = arith.constant 1 : i32
      %mul3A_48 = arith.muli %scan3A_46, %mul3A_47 : i32
      %add3A_49 = arith.constant 0 : i32
      %add3A_50 = arith.addi %add3A_49, %mul3A_48 : i32
      %swap3A = arith.index_cast %add3A_50 : i32 to index
      %swap3A_51 = arith.constant 16 : index
      %swap3A_52 = tpu.vector_load %arg10[%swap3A, %swap3A_51] {strides = array<i32>} : memref<40x128xf32, #tpu.memory_space<vmem>>, vector<1x16xf32>,
      %swap3A_53 = vector.shape_cast %swap3A_52 : vector<1x16xf32> to vector<16xf32>
      %swap3A_54 = vector.shape_cast %select_n3A : vector<16xf32> to vector<1x16xf32>
      tpu.vector_store %arg10[%swap3A, %swap3A_51], %swap3A_54 {strides = array<i32>} : memref<40x128xf32, #tpu.memory_space<vmem>>, vector<1x16xf32>,
    }
    %scan3A_20 = arith.constant 40 : i32
    %scan3A_21 = arith.constant 0 : i32
    %scan3A_22 = arith.constant 40 : i32
    %scan3A_23 = arith.addi %scan3A_21, %scan3A_22 : i32
    %scan3A_24 = arith.constant 1 : i32
    scf.for %scan3A_46 = %scan3A_21 to %scan3A_23 step %scan3A_24  : i32 {
      %mul3A_47 = arith.constant 1 : i32
      %mul3A_48 = arith.muli %scan3A_46, %mul3A_47 : i32
      %add3A_49 = arith.constant 0 : i32
      %add3A_50 = arith.addi %add3A_49, %mul3A_48 : i32
      %swap3A = arith.index_cast %add3A_50 : i32 to index
      %swap3A_51 = arith.constant 16 : index
      %swap3A_52 = tpu.vector_load %arg11[%swap3A, %swap3A_51] {strides = array<i32>} : memref<40x128xf32, #tpu.memory_space<vmem>>, vector<1x16xf32>,
      %swap3A_53 = vector.shape_cast %swap3A_52 : vector<1x16xf32> to vector<16xf32>
      %swap3A_54 = vector.shape_cast %select_n3A : vector<16xf32> to vector<1x16xf32>
      tpu.vector_store %arg11[%swap3A, %swap3A_51], %swap3A_54 {strides = array<i32>} : memref<40x128xf32, #tpu.memory_space<vmem>>, vector<1x16xf32>,
      %scan3A_55 = arith.constant 0 : i32
      %scan3A_56 = arith.constant 6 : i32
      %scan3A_57 = arith.addi %scan3A_55, %scan3A_56 : i32
      %scan3A_58 = arith.constant 1 : i32
      scf.for %scan3A_60 = %scan3A_55 to %scan3A_57 step %scan3A_58  : i32 {
        %mul3A_61 = arith.constant 1 : i32
        %mul3A_62 = arith.muli %scan3A_60, %mul3A_61 : i32
        %add3A_63 = arith.constant 2 : i32
        %add3A_64 = arith.addi %add3A_63, %mul3A_62 : i32
        %mul3A_65 = arith.constant 16 : i32
        %mul3A_66 = arith.muli %add3A_64, %mul3A_65 : i32
        %swap3A_67 = arith.index_cast %add3A_50 : i32 to index
        %swap3A_68 = arith.index_cast %mul3A_66 : i32 to index
        %swap3A_69 = tpu.vector_load %arg11[%swap3A_67, %swap3A_68] {strides = array<i32>} : memref<40x128xf32, #tpu.memory_space<vmem>>, vector<1x16xf32>,
        %swap3A_70 = vector.shape_cast %swap3A_69 : vector<1x16xf32> to vector<16xf32>
        %swap3A_71 = vector.shape_cast %broadcast_in_dim3A_0 : vector<16xf32> to vector<1x16xf32>
        tpu.vector_store %arg11[%swap3A_67, %swap3A_68], %swap3A_71 {strides = array<i32>} : memref<40x128xf32, #tpu.memory_space<vmem>>, vector<1x16xf32>,
      }
      %scan3A_59 = arith.constant 6 : i32
    }
    %scan3A_25 = arith.constant 40 : i32
    %barrier3A = arith.constant 0 : index
    tpu.barrier barrier_id(%barrier3A)
    %mul3A_26 = arith.constant 16 : i32
    %mul3A_27 = arith.muli %arg0, %mul3A_26 : i32
    %add3A = arith.addi %mul3A_27, %arg1 : i32
    %mul3A_28 = arith.constant 10000 : i32
    %mul3A_29 = arith.muli %add3A, %mul3A_28 : i32
    %scan3A_30 = arith.constant 0 : i32
    %scan3A_31 = arith.constant 6 : i32
    %scan3A_32 = arith.addi %scan3A_30, %scan3A_31 : i32
    %scan3A_33 = arith.constant 1 : i32
    scf.for %scan3A_46 = %scan3A_30 to %scan3A_32 step %scan3A_33  : i32 {
      %mul3A_47 = arith.constant 1 : i32
      %mul3A_48 = arith.muli %scan3A_46, %mul3A_47 : i32
      %add3A_49 = arith.constant 0 : i32
      %add3A_50 = arith.addi %add3A_49, %mul3A_48 : i32
      %mul3A_51 = arith.constant 160 : i32
      %mul3A_52 = arith.muli %add3A_50, %mul3A_51 : i32
      %add3A_53 = arith.addi %mul3A_29, %mul3A_52 : i32
      %mul3A_54 = arith.constant 160 : i32
      %mul3A_55 = arith.muli %add3A_50, %mul3A_54 : i32
      %dma_start3A = tpu.memref_slice %arg6[%mul3A_55] : memref<960xi32, #tpu.memory_space<vmem>> -> memref<160xi32, #tpu.memory_space<vmem>>
      %dma_start3A_56 = tpu.memref_slice %arg2[%add3A_53] : memref<320080xi32, #tpu.memory_space<hbm>> -> memref<160xi32, #tpu.memory_space<hbm>>
      %dma_start3A_57 = tpu.memref_slice %arg12[%add3A_50] : memref<6x!tpu.dma_semaphore, #tpu.memory_space<semaphore_mem>> -> memref<1x!tpu.dma_semaphore, #tpu.memory_space<semaphore_mem>>
      %dma_start3A_58 = tpu.memref_squeeze %dma_start3A_57 : memref<1x!tpu.dma_semaphore, #tpu.memory_space<semaphore_mem>> -> memref<!tpu.dma_semaphore, #tpu.memory_space<semaphore_mem>>
      %dma_start3A_59 = tpu.memref_slice %arg6[%mul3A_55] : memref<960xi32, #tpu.memory_space<vmem>> -> memref<160xi32, #tpu.memory_space<vmem>>
      %dma_start3A_60 = tpu.memref_slice %arg2[%add3A_53] : memref<320080xi32, #tpu.memory_space<hbm>> -> memref<160xi32, #tpu.memory_space<hbm>>
      tpu.enqueue_dma source(%dma_start3A_60 : memref<160xi32, #tpu.memory_space<hbm>>) target(%dma_start3A_59 : memref<160xi32, #tpu.memory_space<vmem>>) target_semaphore(%dma_start3A_58 : memref<!tpu.dma_semaphore, #tpu.memory_space<semaphore_mem>>)
      %mul3A_61 = arith.constant 16 : i32
      %mul3A_62 = arith.muli %add3A_53, %mul3A_61 : i32
      %mul3A_63 = arith.constant 16 : i32
      %mul3A_64 = arith.muli %mul3A_55, %mul3A_63 : i32
      %dma_start3A_65 = tpu.memref_slice %arg7[%mul3A_64] : memref<15360xf32, #tpu.memory_space<vmem>> -> memref<2560xf32, #tpu.memory_space<vmem>>
      %dma_start3A_66 = tpu.memref_slice %arg3[%mul3A_62] : memref<5121280xf32, #tpu.memory_space<hbm>> -> memref<2560xf32, #tpu.memory_space<hbm>>
      %dma_start3A_67 = tpu.memref_slice %arg12[%add3A_50] : memref<6x!tpu.dma_semaphore, #tpu.memory_space<semaphore_mem>> -> memref<1x!tpu.dma_semaphore, #tpu.memory_space<semaphore_mem>>
      %dma_start3A_68 = tpu.memref_squeeze %dma_start3A_67 : memref<1x!tpu.dma_semaphore, #tpu.memory_space<semaphore_mem>> -> memref<!tpu.dma_semaphore, #tpu.memory_space<semaphore_mem>>
      %dma_start3A_69 = tpu.memref_slice %arg7[%mul3A_64] : memref<15360xf32, #tpu.memory_space<vmem>> -> memref<2560xf32, #tpu.memory_space<vmem>>
      %dma_start3A_70 = tpu.memref_slice %arg3[%mul3A_62] : memref<5121280xf32, #tpu.memory_space<hbm>> -> memref<2560xf32, #tpu.memory_space<hbm>>
      tpu.enqueue_dma source(%dma_start3A_70 : memref<2560xf32, #tpu.memory_space<hbm>>) target(%dma_start3A_69 : memref<2560xf32, #tpu.memory_space<vmem>>) target_semaphore(%dma_start3A_68 : memref<!tpu.dma_semaphore, #tpu.memory_space<semaphore_mem>>)
    }
    %scan3A_34 = arith.constant 6 : i32
    %scan3A_35 = arith.constant 0 : i32
    %scan3A_36 = arith.constant 63 : i32
    %scan3A_37 = arith.addi %scan3A_35, %scan3A_36 : i32
    %scan3A_38 = arith.constant 1 : i32
    scf.for %scan3A_46 = %scan3A_35 to %scan3A_37 step %scan3A_38  : i32 {
      %mul3A_47 = arith.constant 1 : i32
      %mul3A_48 = arith.muli %scan3A_46, %mul3A_47 : i32
      %add3A_49 = arith.constant 0 : i32
      %add3A_50 = arith.addi %add3A_49, %mul3A_48 : i32
      %rem3A = arith.constant 6 : i32
      %rem3A_51 = arith.remsi %add3A_50, %rem3A : i32
      %mul3A_52 = arith.constant 160 : i32
      %mul3A_53 = arith.muli %rem3A_51, %mul3A_52 : i32
      %mul3A_54 = arith.constant 160 : i32
      %mul3A_55 = arith.muli %rem3A_51, %mul3A_54 : i32
      %dma_wait3A_56 = tpu.memref_slice %arg6[%mul3A_55] : memref<960xi32, #tpu.memory_space<vmem>> -> memref<160xi32, #tpu.memory_space<vmem>>
      %dma_wait3A_57 = arith.constant 0 : i32
      %dma_wait3A_58 = tpu.memref_slice %arg2[%dma_wait3A_57] : memref<320080xi32, #tpu.memory_space<hbm>> -> memref<160xi32, #tpu.memory_space<hbm>>
      %dma_wait3A_59 = tpu.memref_slice %arg12[%rem3A_51] : memref<6x!tpu.dma_semaphore, #tpu.memory_space<semaphore_mem>> -> memref<1x!tpu.dma_semaphore, #tpu.memory_space<semaphore_mem>>
      %dma_wait3A_60 = tpu.memref_squeeze %dma_wait3A_59 : memref<1x!tpu.dma_semaphore, #tpu.memory_space<semaphore_mem>> -> memref<!tpu.dma_semaphore, #tpu.memory_space<semaphore_mem>>
      %dma_wait3A_61 = tpu.memref_slice %arg6[%mul3A_55] : memref<960xi32, #tpu.memory_space<vmem>> -> memref<160xi32, #tpu.memory_space<vmem>>
      %dma_wait3A_62 = arith.constant 0 : i32
      %dma_wait3A_63 = tpu.memref_slice %arg2[%dma_wait3A_62] : memref<320080xi32, #tpu.memory_space<hbm>> -> memref<160xi32, #tpu.memory_space<hbm>>
      tpu.wait_dma2 semaphore(%dma_wait3A_60 : memref<!tpu.dma_semaphore, #tpu.memory_space<semaphore_mem>>) src(%dma_wait3A_63 : memref<160xi32, #tpu.memory_space<hbm>>) dst(%dma_wait3A_61 : memref<160xi32, #tpu.memory_space<vmem>>)
      %mul3A_64 = arith.constant 16 : i32
      %mul3A_65 = arith.muli %mul3A_55, %mul3A_64 : i32
      %dma_wait3A_66 = tpu.memref_slice %arg7[%mul3A_65] : memref<15360xf32, #tpu.memory_space<vmem>> -> memref<2560xf32, #tpu.memory_space<vmem>>
      %dma_wait3A_67 = arith.constant 0 : i32
      %dma_wait3A_68 = tpu.memref_slice %arg3[%dma_wait3A_67] : memref<5121280xf32, #tpu.memory_space<hbm>> -> memref<2560xf32, #tpu.memory_space<hbm>>
      %dma_wait3A_69 = tpu.memref_slice %arg12[%rem3A_51] : memref<6x!tpu.dma_semaphore, #tpu.memory_space<semaphore_mem>> -> memref<1x!tpu.dma_semaphore, #tpu.memory_space<semaphore_mem>>
      %dma_wait3A_70 = tpu.memref_squeeze %dma_wait3A_69 : memref<1x!tpu.dma_semaphore, #tpu.memory_space<semaphore_mem>> -> memref<!tpu.dma_semaphore, #tpu.memory_space<semaphore_mem>>
      %dma_wait3A_71 = tpu.memref_slice %arg7[%mul3A_65] : memref<15360xf32, #tpu.memory_space<vmem>> -> memref<2560xf32, #tpu.memory_space<vmem>>
      %dma_wait3A_72 = arith.constant 0 : i32
      %dma_wait3A_73 = tpu.memref_slice %arg3[%dma_wait3A_72] : memref<5121280xf32, #tpu.memory_space<hbm>> -> memref<2560xf32, #tpu.memory_space<hbm>>
      tpu.wait_dma2 semaphore(%dma_wait3A_70 : memref<!tpu.dma_semaphore, #tpu.memory_space<semaphore_mem>>) src(%dma_wait3A_73 : memref<2560xf32, #tpu.memory_space<hbm>>) dst(%dma_wait3A_71 : memref<2560xf32, #tpu.memory_space<vmem>>)
      %gt3A = arith.constant 0 : i32
      %gt3A_74 = arith.cmpi sgt, %add3A_50, %gt3A : i32
      %convert_element_type3A = arith.extui %gt3A_74 : i1 to i32
      %cond3A = arith.constant 0 : i32
      %cond3A_75 = arith.cmpi ne, %convert_element_type3A, %cond3A : i32
      scf.if %cond3A_75 {
        %dma_wait3A_167 = arith.constant 0 : i32
        %dma_wait3A_168 = arith.constant 0 : i32
        %dma_wait3A_169 = tpu.memref_slice %arg5[%dma_wait3A_167, %dma_wait3A_168] : memref<10240x128xf32, #tpu.memory_space<vmem_shared>> -> memref<10240x128xf32, #tpu.memory_space<vmem_shared>>
        tpu.wait_indirect_dma semaphore(%arg13 : memref<!tpu.dma_semaphore, #tpu.memory_space<semaphore_mem>>) src(%arg10 : memref<40x128xf32, #tpu.memory_space<vmem>>) dst(%dma_wait3A_169 : memref<10240x128xf32, #tpu.memory_space<vmem_shared>>)
      } else {
      }
      %add3A_76 = arith.constant 0 : i32
      %add3A_77 = arith.addi %mul3A_53, %add3A_76 : i32
      %get3A = arith.index_cast %add3A_77 : i32 to index
      %get3A_78 = tpu.vector_load %arg6[%get3A] {strides = array<i32>} : memref<960xi32, #tpu.memory_space<vmem>>, vector<16xi32>,
      %get3A_79 = vector.shape_cast %get3A_78 : vector<16xi32> to vector<16xi32>
      %swap3A = arith.constant 0 : index
      %swap3A_80 = tpu.vector_load %arg8[%swap3A] {strides = array<i32>} : memref<40xi32, #tpu.memory_space<vmem>>, vector<16xi32>,
      %swap3A_81 = vector.shape_cast %swap3A_80 : vector<16xi32> to vector<16xi32>
      %swap3A_82 = vector.shape_cast %get3A_79 : vector<16xi32> to vector<16xi32>
      tpu.vector_store %arg8[%swap3A], %swap3A_82 {strides = array<i32>} : memref<40xi32, #tpu.memory_space<vmem>>, vector<16xi32>,
      %add3A_83 = arith.constant 16 : i32
      %add3A_84 = arith.addi %add3A_77, %add3A_83 : i32
      %get3A_85 = arith.index_cast %add3A_84 : i32 to index
      %get3A_86 = tpu.vector_load %arg6[%get3A_85] {strides = array<i32>} : memref<960xi32, #tpu.memory_space<vmem>>, vector<16xi32>,
      %get3A_87 = vector.shape_cast %get3A_86 : vector<16xi32> to vector<16xi32>
      %swap3A_88 = arith.constant 16 : index
      %swap3A_89 = tpu.vector_load %arg8[%swap3A_88] {strides = array<i32>} : memref<40xi32, #tpu.memory_space<vmem>>, vector<16xi32>,
      %swap3A_90 = vector.shape_cast %swap3A_89 : vector<16xi32> to vector<16xi32>
      %swap3A_91 = vector.shape_cast %get3A_87 : vector<16xi32> to vector<16xi32>
      tpu.vector_store %arg8[%swap3A_88], %swap3A_91 {strides = array<i32>} : memref<40xi32, #tpu.memory_space<vmem>>, vector<16xi32>,
      %add3A_92 = arith.constant 40 : i32
      %add3A_93 = arith.addi %add3A_77, %add3A_92 : i32
      %sub3A = arith.constant 16 : i32
      %sub3A_94 = arith.subi %add3A_93, %sub3A : i32
      %get3A_95 = arith.index_cast %sub3A_94 : i32 to index
      %get3A_96 = tpu.vector_load %arg6[%get3A_95] {strides = array<i32>} : memref<960xi32, #tpu.memory_space<vmem>>, vector<16xi32>,
      %get3A_97 = vector.shape_cast %get3A_96 : vector<16xi32> to vector<16xi32>
      %swap3A_98 = arith.constant 24 : index
      %swap3A_99 = tpu.vector_load %arg8[%swap3A_98] {strides = array<i32>} : memref<40xi32, #tpu.memory_space<vmem>>, vector<16xi32>,
      %swap3A_100 = vector.shape_cast %swap3A_99 : vector<16xi32> to vector<16xi32>
      %swap3A_101 = vector.shape_cast %get3A_97 : vector<16xi32> to vector<16xi32>
      tpu.vector_store %arg8[%swap3A_98], %swap3A_101 {strides = array<i32>} : memref<40xi32, #tpu.memory_space<vmem>>, vector<16xi32>,
      %scan3A_102 = arith.constant 0 : i32
      %scan3A_103 = arith.constant 40 : i32
      %scan3A_104 = arith.addi %scan3A_102, %scan3A_103 : i32
      %scan3A_105 = arith.constant 1 : i32
      scf.for %scan3A_167 = %scan3A_102 to %scan3A_104 step %scan3A_105  : i32 {
        %mul3A_168 = arith.constant 1 : i32
        %mul3A_169 = arith.muli %scan3A_167, %mul3A_168 : i32
        %add3A_170 = arith.constant 0 : i32
        %add3A_171 = arith.addi %add3A_170, %mul3A_169 : i32
        %add3A_172 = arith.addi %add3A_77, %add3A_171 : i32
        %mul3A_173 = arith.constant 16 : i32
        %mul3A_174 = arith.muli %add3A_172, %mul3A_173 : i32
        %get3A_175 = arith.index_cast %mul3A_174 : i32 to index
        %get3A_176 = tpu.vector_load %arg7[%get3A_175] {strides = array<i32>} : memref<15360xf32, #tpu.memory_space<vmem>>, vector<16xf32>,
        %get3A_177 = vector.shape_cast %get3A_176 : vector<16xf32> to vector<16xf32>
        %swap3A_178 = arith.index_cast %add3A_171 : i32 to index
        %swap3A_179 = arith.constant 0 : index
        %swap3A_180 = tpu.vector_load %arg10[%swap3A_178, %swap3A_179] {strides = array<i32>} : memref<40x128xf32, #tpu.memory_space<vmem>>, vector<1x16xf32>,
        %swap3A_181 = vector.shape_cast %swap3A_180 : vector<1x16xf32> to vector<16xf32>
        %swap3A_182 = vector.shape_cast %get3A_177 : vector<16xf32> to vector<1x16xf32>
        tpu.vector_store %arg10[%swap3A_178, %swap3A_179], %swap3A_182 {strides = array<i32>} : memref<40x128xf32, #tpu.memory_space<vmem>>, vector<1x16xf32>,
      }
      %scan3A_106 = arith.constant 40 : i32
      %dma_start3A = arith.constant 0 : i32
      %dma_start3A_107 = arith.constant 0 : i32
      %dma_start3A_108 = tpu.memref_slice %arg5[%dma_start3A, %dma_start3A_107] : memref<10240x128xf32, #tpu.memory_space<vmem_shared>> -> memref<10240x128xf32, #tpu.memory_space<vmem_shared>>
      tpu.enqueue_indirect_dma source(%arg10 : memref<40x128xf32, #tpu.memory_space<vmem>>) target(%dma_start3A_108 : memref<10240x128xf32, #tpu.memory_space<vmem_shared>>) offsets(%arg8 : memref<40xi32, #tpu.memory_space<vmem>>) semaphore(%arg13 : memref<!tpu.dma_semaphore, #tpu.memory_space<semaphore_mem>>) {add = true}
      %gt3A_109 = arith.constant 0 : i32
      %gt3A_110 = arith.cmpi sgt, %add3A_50, %gt3A_109 : i32
      %convert_element_type3A_111 = arith.extui %gt3A_110 : i1 to i32
      %cond3A_112 = arith.constant 0 : i32
      %cond3A_113 = arith.cmpi ne, %convert_element_type3A_111, %cond3A_112 : i32
      scf.if %cond3A_113 {
        %dma_wait3A_167 = arith.constant 0 : i32
        %dma_wait3A_168 = arith.constant 0 : i32
        %dma_wait3A_169 = tpu.memref_slice %arg5[%dma_wait3A_167, %dma_wait3A_168] : memref<10240x128xf32, #tpu.memory_space<vmem_shared>> -> memref<10240x128xf32, #tpu.memory_space<vmem_shared>>
        tpu.wait_indirect_dma semaphore(%arg14 : memref<!tpu.dma_semaphore, #tpu.memory_space<semaphore_mem>>) src(%arg11 : memref<40x128xf32, #tpu.memory_space<vmem>>) dst(%dma_wait3A_169 : memref<10240x128xf32, #tpu.memory_space<vmem_shared>>)
      } else {
      }
      %add3A_114 = arith.constant 40 : i32
      %add3A_115 = arith.addi %mul3A_53, %add3A_114 : i32
      %get3A_116 = arith.index_cast %add3A_115 : i32 to index
      %get3A_117 = tpu.vector_load %arg6[%get3A_116] {strides = array<i32>} : memref<960xi32, #tpu.memory_space<vmem>>, vector<16xi32>,
      %get3A_118 = vector.shape_cast %get3A_117 : vector<16xi32> to vector<16xi32>
      %swap3A_119 = arith.constant 0 : index
      %swap3A_120 = tpu.vector_load %arg9[%swap3A_119] {strides = array<i32>} : memref<40xi32, #tpu.memory_space<vmem>>, vector<16xi32>,
      %swap3A_121 = vector.shape_cast %swap3A_120 : vector<16xi32> to vector<16xi32>
      %swap3A_122 = vector.shape_cast %get3A_118 : vector<16xi32> to vector<16xi32>
      tpu.vector_store %arg9[%swap3A_119], %swap3A_122 {strides = array<i32>} : memref<40xi32, #tpu.memory_space<vmem>>, vector<16xi32>,
      %add3A_123 = arith.constant 16 : i32
      %add3A_124 = arith.addi %add3A_115, %add3A_123 : i32
      %get3A_125 = arith.index_cast %add3A_124 : i32 to index
      %get3A_126 = tpu.vector_load %arg6[%get3A_125] {strides = array<i32>} : memref<960xi32, #tpu.memory_space<vmem>>, vector<16xi32>,
      %get3A_127 = vector.shape_cast %get3A_126 : vector<16xi32> to vector<16xi32>
      %swap3A_128 = arith.constant 16 : index
      %swap3A_129 = tpu.vector_load %arg9[%swap3A_128] {strides = array<i32>} : memref<40xi32, #tpu.memory_space<vmem>>, vector<16xi32>,
      %swap3A_130 = vector.shape_cast %swap3A_129 : vector<16xi32> to vector<16xi32>
      %swap3A_131 = vector.shape_cast %get3A_127 : vector<16xi32> to vector<16xi32>
      tpu.vector_store %arg9[%swap3A_128], %swap3A_131 {strides = array<i32>} : memref<40xi32, #tpu.memory_space<vmem>>, vector<16xi32>,
      %add3A_132 = arith.constant 40 : i32
      %add3A_133 = arith.addi %add3A_115, %add3A_132 : i32
      %sub3A_134 = arith.constant 16 : i32
      %sub3A_135 = arith.subi %add3A_133, %sub3A_134 : i32
      %get3A_136 = arith.index_cast %sub3A_135 : i32 to index
      %get3A_137 = tpu.vector_load %arg6[%get3A_136] {strides = array<i32>} : memref<960xi32, #tpu.memory_space<vmem>>, vector<16xi32>,
      %get3A_138 = vector.shape_cast %get3A_137 : vector<16xi32> to vector<16xi32>
      %swap3A_139 = arith.constant 24 : index
      %swap3A_140 = tpu.vector_load %arg9[%swap3A_139] {strides = array<i32>} : memref<40xi32, #tpu.memory_space<vmem>>, vector<16xi32>,
      %swap3A_141 = vector.shape_cast %swap3A_140 : vector<16xi32> to vector<16xi32>
      %swap3A_142 = vector.shape_cast %get3A_138 : vector<16xi32> to vector<16xi32>
      tpu.vector_store %arg9[%swap3A_139], %swap3A_142 {strides = array<i32>} : memref<40xi32, #tpu.memory_space<vmem>>, vector<16xi32>,
      %scan3A_143 = arith.constant 0 : i32
      %scan3A_144 = arith.constant 40 : i32
      %scan3A_145 = arith.addi %scan3A_143, %scan3A_144 : i32
      %scan3A_146 = arith.constant 1 : i32
      scf.for %scan3A_167 = %scan3A_143 to %scan3A_145 step %scan3A_146  : i32 {
        %mul3A_168 = arith.constant 1 : i32
        %mul3A_169 = arith.muli %scan3A_167, %mul3A_168 : i32
        %add3A_170 = arith.constant 0 : i32
        %add3A_171 = arith.addi %add3A_170, %mul3A_169 : i32
        %add3A_172 = arith.addi %add3A_115, %add3A_171 : i32
        %mul3A_173 = arith.constant 16 : i32
        %mul3A_174 = arith.muli %add3A_172, %mul3A_173 : i32
        %get3A_175 = arith.index_cast %mul3A_174 : i32 to index
        %get3A_176 = tpu.vector_load %arg7[%get3A_175] {strides = array<i32>} : memref<15360xf32, #tpu.memory_space<vmem>>, vector<16xf32>,
        %get3A_177 = vector.shape_cast %get3A_176 : vector<16xf32> to vector<16xf32>
        %swap3A_178 = arith.index_cast %add3A_171 : i32 to index
        %swap3A_179 = arith.constant 0 : index
        %swap3A_180 = tpu.vector_load %arg11[%swap3A_178, %swap3A_179] {strides = array<i32>} : memref<40x128xf32, #tpu.memory_space<vmem>>, vector<1x16xf32>,
        %swap3A_181 = vector.shape_cast %swap3A_180 : vector<1x16xf32> to vector<16xf32>
        %swap3A_182 = vector.shape_cast %get3A_177 : vector<16xf32> to vector<1x16xf32>
        tpu.vector_store %arg11[%swap3A_178, %swap3A_179], %swap3A_182 {strides = array<i32>} : memref<40x128xf32, #tpu.memory_space<vmem>>, vector<1x16xf32>,
      }
      %scan3A_147 = arith.constant 40 : i32
      %dma_start3A_148 = arith.constant 0 : i32
      %dma_start3A_149 = arith.constant 0 : i32
      %dma_start3A_150 = tpu.memref_slice %arg5[%dma_start3A_148, %dma_start3A_149] : memref<10240x128xf32, #tpu.memory_space<vmem_shared>> -> memref<10240x128xf32, #tpu.memory_space<vmem_shared>>
      tpu.enqueue_indirect_dma source(%arg11 : memref<40x128xf32, #tpu.memory_space<vmem>>) target(%dma_start3A_150 : memref<10240x128xf32, #tpu.memory_space<vmem_shared>>) offsets(%arg9 : memref<40xi32, #tpu.memory_space<vmem>>) semaphore(%arg14 : memref<!tpu.dma_semaphore, #tpu.memory_space<semaphore_mem>>) {add = true}
      %lt3A = arith.constant 62 : i32
      %lt3A_151 = arith.cmpi slt, %add3A_50, %lt3A : i32
      %convert_element_type3A_152 = arith.extui %lt3A_151 : i1 to i32
      %cond3A_153 = arith.constant 0 : i32
      %cond3A_154 = arith.cmpi ne, %convert_element_type3A_152, %cond3A_153 : i32
      scf.if %cond3A_154 {
        %dma_wait3A_167 = arith.constant 0 : i32
        %dma_wait3A_168 = arith.constant 0 : i32
        %dma_wait3A_169 = tpu.memref_slice %arg5[%dma_wait3A_167, %dma_wait3A_168] : memref<10240x128xf32, #tpu.memory_space<vmem_shared>> -> memref<10240x128xf32, #tpu.memory_space<vmem_shared>>
        tpu.wait_indirect_dma semaphore(%arg13 : memref<!tpu.dma_semaphore, #tpu.memory_space<semaphore_mem>>) src(%arg10 : memref<40x128xf32, #tpu.memory_space<vmem>>) dst(%dma_wait3A_169 : memref<10240x128xf32, #tpu.memory_space<vmem_shared>>)
        %add3A_170 = arith.constant 80 : i32
        %add3A_171 = arith.addi %mul3A_53, %add3A_170 : i32
        %get3A_172 = arith.index_cast %add3A_171 : i32 to index
        %get3A_173 = tpu.vector_load %arg6[%get3A_172] {strides = array<i32>} : memref<960xi32, #tpu.memory_space<vmem>>, vector<16xi32>,
        %get3A_174 = vector.shape_cast %get3A_173 : vector<16xi32> to vector<16xi32>
        %swap3A_175 = arith.constant 0 : index
        %swap3A_176 = tpu.vector_load %arg8[%swap3A_175] {strides = array<i32>} : memref<40xi32, #tpu.memory_space<vmem>>, vector<16xi32>,
        %swap3A_177 = vector.shape_cast %swap3A_176 : vector<16xi32> to vector<16xi32>
        %swap3A_178 = vector.shape_cast %get3A_174 : vector<16xi32> to vector<16xi32>
        tpu.vector_store %arg8[%swap3A_175], %swap3A_178 {strides = array<i32>} : memref<40xi32, #tpu.memory_space<vmem>>, vector<16xi32>,
        %add3A_179 = arith.constant 16 : i32
        %add3A_180 = arith.addi %add3A_171, %add3A_179 : i32
        %get3A_181 = arith.index_cast %add3A_180 : i32 to index
        %get3A_182 = tpu.vector_load %arg6[%get3A_181] {strides = array<i32>} : memref<960xi32, #tpu.memory_space<vmem>>, vector<16xi32>,
        %get3A_183 = vector.shape_cast %get3A_182 : vector<16xi32> to vector<16xi32>
        %swap3A_184 = arith.constant 16 : index
        %swap3A_185 = tpu.vector_load %arg8[%swap3A_184] {strides = array<i32>} : memref<40xi32, #tpu.memory_space<vmem>>, vector<16xi32>,
        %swap3A_186 = vector.shape_cast %swap3A_185 : vector<16xi32> to vector<16xi32>
        %swap3A_187 = vector.shape_cast %get3A_183 : vector<16xi32> to vector<16xi32>
        tpu.vector_store %arg8[%swap3A_184], %swap3A_187 {strides = array<i32>} : memref<40xi32, #tpu.memory_space<vmem>>, vector<16xi32>,
        %add3A_188 = arith.constant 40 : i32
        %add3A_189 = arith.addi %add3A_171, %add3A_188 : i32
        %sub3A_190 = arith.constant 16 : i32
        %sub3A_191 = arith.subi %add3A_189, %sub3A_190 : i32
        %get3A_192 = arith.index_cast %sub3A_191 : i32 to index
        %get3A_193 = tpu.vector_load %arg6[%get3A_192] {strides = array<i32>} : memref<960xi32, #tpu.memory_space<vmem>>, vector<16xi32>,
        %get3A_194 = vector.shape_cast %get3A_193 : vector<16xi32> to vector<16xi32>
        %swap3A_195 = arith.constant 24 : index
        %swap3A_196 = tpu.vector_load %arg8[%swap3A_195] {strides = array<i32>} : memref<40xi32, #tpu.memory_space<vmem>>, vector<16xi32>,
        %swap3A_197 = vector.shape_cast %swap3A_196 : vector<16xi32> to vector<16xi32>
        %swap3A_198 = vector.shape_cast %get3A_194 : vector<16xi32> to vector<16xi32>
        tpu.vector_store %arg8[%swap3A_195], %swap3A_198 {strides = array<i32>} : memref<40xi32, #tpu.memory_space<vmem>>, vector<16xi32>,
        %scan3A_199 = arith.constant 0 : i32
        %scan3A_200 = arith.constant 40 : i32
        %scan3A_201 = arith.addi %scan3A_199, %scan3A_200 : i32
        %scan3A_202 = arith.constant 1 : i32
        scf.for %scan3A_207 = %scan3A_199 to %scan3A_201 step %scan3A_202  : i32 {
          %mul3A_208 = arith.constant 1 : i32
          %mul3A_209 = arith.muli %scan3A_207, %mul3A_208 : i32
          %add3A_210 = arith.constant 0 : i32
          %add3A_211 = arith.addi %add3A_210, %mul3A_209 : i32
          %add3A_212 = arith.addi %add3A_171, %add3A_211 : i32
          %mul3A_213 = arith.constant 16 : i32
          %mul3A_214 = arith.muli %add3A_212, %mul3A_213 : i32
          %get3A_215 = arith.index_cast %mul3A_214 : i32 to index
          %get3A_216 = tpu.vector_load %arg7[%get3A_215] {strides = array<i32>} : memref<15360xf32, #tpu.memory_space<vmem>>, vector<16xf32>,
          %get3A_217 = vector.shape_cast %get3A_216 : vector<16xf32> to vector<16xf32>
          %swap3A_218 = arith.index_cast %add3A_211 : i32 to index
          %swap3A_219 = arith.constant 0 : index
          %swap3A_220 = tpu.vector_load %arg10[%swap3A_218, %swap3A_219] {strides = array<i32>} : memref<40x128xf32, #tpu.memory_space<vmem>>, vector<1x16xf32>,
          %swap3A_221 = vector.shape_cast %swap3A_220 : vector<1x16xf32> to vector<16xf32>
          %swap3A_222 = vector.shape_cast %get3A_217 : vector<16xf32> to vector<1x16xf32>
          tpu.vector_store %arg10[%swap3A_218, %swap3A_219], %swap3A_222 {strides = array<i32>} : memref<40x128xf32, #tpu.memory_space<vmem>>, vector<1x16xf32>,
        }
        %scan3A_203 = arith.constant 40 : i32
        %dma_start3A_204 = arith.constant 0 : i32
        %dma_start3A_205 = arith.constant 0 : i32
        %dma_start3A_206 = tpu.memref_slice %arg5[%dma_start3A_204, %dma_start3A_205] : memref<10240x128xf32, #tpu.memory_space<vmem_shared>> -> memref<10240x128xf32, #tpu.memory_space<vmem_shared>>
        tpu.enqueue_indirect_dma source(%arg10 : memref<40x128xf32, #tpu.memory_space<vmem>>) target(%dma_start3A_206 : memref<10240x128xf32, #tpu.memory_space<vmem_shared>>) offsets(%arg8 : memref<40xi32, #tpu.memory_space<vmem>>) semaphore(%arg13 : memref<!tpu.dma_semaphore, #tpu.memory_space<semaphore_mem>>) {add = true}
      } else {
      }
      %lt3A_155 = arith.constant 62 : i32
      %lt3A_156 = arith.cmpi slt, %add3A_50, %lt3A_155 : i32
      %convert_element_type3A_157 = arith.extui %lt3A_156 : i1 to i32
      %cond3A_158 = arith.constant 0 : i32
      %cond3A_159 = arith.cmpi ne, %convert_element_type3A_157, %cond3A_158 : i32
      scf.if %cond3A_159 {
        %dma_wait3A_167 = arith.constant 0 : i32
        %dma_wait3A_168 = arith.constant 0 : i32
        %dma_wait3A_169 = tpu.memref_slice %arg5[%dma_wait3A_167, %dma_wait3A_168] : memref<10240x128xf32, #tpu.memory_space<vmem_shared>> -> memref<10240x128xf32, #tpu.memory_space<vmem_shared>>
        tpu.wait_indirect_dma semaphore(%arg14 : memref<!tpu.dma_semaphore, #tpu.memory_space<semaphore_mem>>) src(%arg11 : memref<40x128xf32, #tpu.memory_space<vmem>>) dst(%dma_wait3A_169 : memref<10240x128xf32, #tpu.memory_space<vmem_shared>>)
        %add3A_170 = arith.constant 120 : i32
        %add3A_171 = arith.addi %mul3A_53, %add3A_170 : i32
        %get3A_172 = arith.index_cast %add3A_171 : i32 to index
        %get3A_173 = tpu.vector_load %arg6[%get3A_172] {strides = array<i32>} : memref<960xi32, #tpu.memory_space<vmem>>, vector<16xi32>,
        %get3A_174 = vector.shape_cast %get3A_173 : vector<16xi32> to vector<16xi32>
        %swap3A_175 = arith.constant 0 : index
        %swap3A_176 = tpu.vector_load %arg9[%swap3A_175] {strides = array<i32>} : memref<40xi32, #tpu.memory_space<vmem>>, vector<16xi32>,
        %swap3A_177 = vector.shape_cast %swap3A_176 : vector<16xi32> to vector<16xi32>
        %swap3A_178 = vector.shape_cast %get3A_174 : vector<16xi32> to vector<16xi32>
        tpu.vector_store %arg9[%swap3A_175], %swap3A_178 {strides = array<i32>} : memref<40xi32, #tpu.memory_space<vmem>>, vector<16xi32>,
        %add3A_179 = arith.constant 16 : i32
        %add3A_180 = arith.addi %add3A_171, %add3A_179 : i32
        %get3A_181 = arith.index_cast %add3A_180 : i32 to index
        %get3A_182 = tpu.vector_load %arg6[%get3A_181] {strides = array<i32>} : memref<960xi32, #tpu.memory_space<vmem>>, vector<16xi32>,
        %get3A_183 = vector.shape_cast %get3A_182 : vector<16xi32> to vector<16xi32>
        %swap3A_184 = arith.constant 16 : index
        %swap3A_185 = tpu.vector_load %arg9[%swap3A_184] {strides = array<i32>} : memref<40xi32, #tpu.memory_space<vmem>>, vector<16xi32>,
        %swap3A_186 = vector.shape_cast %swap3A_185 : vector<16xi32> to vector<16xi32>
        %swap3A_187 = vector.shape_cast %get3A_183 : vector<16xi32> to vector<16xi32>
        tpu.vector_store %arg9[%swap3A_184], %swap3A_187 {strides = array<i32>} : memref<40xi32, #tpu.memory_space<vmem>>, vector<16xi32>,
        %add3A_188 = arith.constant 40 : i32
        %add3A_189 = arith.addi %add3A_171, %add3A_188 : i32
        %sub3A_190 = arith.constant 16 : i32
        %sub3A_191 = arith.subi %add3A_189, %sub3A_190 : i32
        %get3A_192 = arith.index_cast %sub3A_191 : i32 to index
        %get3A_193 = tpu.vector_load %arg6[%get3A_192] {strides = array<i32>} : memref<960xi32, #tpu.memory_space<vmem>>, vector<16xi32>,
        %get3A_194 = vector.shape_cast %get3A_193 : vector<16xi32> to vector<16xi32>
        %swap3A_195 = arith.constant 24 : index
        %swap3A_196 = tpu.vector_load %arg9[%swap3A_195] {strides = array<i32>} : memref<40xi32, #tpu.memory_space<vmem>>, vector<16xi32>,
        %swap3A_197 = vector.shape_cast %swap3A_196 : vector<16xi32> to vector<16xi32>
        %swap3A_198 = vector.shape_cast %get3A_194 : vector<16xi32> to vector<16xi32>
        tpu.vector_store %arg9[%swap3A_195], %swap3A_198 {strides = array<i32>} : memref<40xi32, #tpu.memory_space<vmem>>, vector<16xi32>,
        %scan3A_199 = arith.constant 0 : i32
        %scan3A_200 = arith.constant 40 : i32
        %scan3A_201 = arith.addi %scan3A_199, %scan3A_200 : i32
        %scan3A_202 = arith.constant 1 : i32
        scf.for %scan3A_207 = %scan3A_199 to %scan3A_201 step %scan3A_202  : i32 {
          %mul3A_208 = arith.constant 1 : i32
          %mul3A_209 = arith.muli %scan3A_207, %mul3A_208 : i32
          %add3A_210 = arith.constant 0 : i32
          %add3A_211 = arith.addi %add3A_210, %mul3A_209 : i32
          %add3A_212 = arith.addi %add3A_171, %add3A_211 : i32
          %mul3A_213 = arith.constant 16 : i32
          %mul3A_214 = arith.muli %add3A_212, %mul3A_213 : i32
          %get3A_215 = arith.index_cast %mul3A_214 : i32 to index
          %get3A_216 = tpu.vector_load %arg7[%get3A_215] {strides = array<i32>} : memref<15360xf32, #tpu.memory_space<vmem>>, vector<16xf32>,
          %get3A_217 = vector.shape_cast %get3A_216 : vector<16xf32> to vector<16xf32>
          %swap3A_218 = arith.index_cast %add3A_211 : i32 to index
          %swap3A_219 = arith.constant 0 : index
          %swap3A_220 = tpu.vector_load %arg11[%swap3A_218, %swap3A_219] {strides = array<i32>} : memref<40x128xf32, #tpu.memory_space<vmem>>, vector<1x16xf32>,
          %swap3A_221 = vector.shape_cast %swap3A_220 : vector<1x16xf32> to vector<16xf32>
          %swap3A_222 = vector.shape_cast %get3A_217 : vector<16xf32> to vector<1x16xf32>
          tpu.vector_store %arg11[%swap3A_218, %swap3A_219], %swap3A_222 {strides = array<i32>} : memref<40x128xf32, #tpu.memory_space<vmem>>, vector<1x16xf32>,
        }
        %scan3A_203 = arith.constant 40 : i32
        %dma_start3A_204 = arith.constant 0 : i32
        %dma_start3A_205 = arith.constant 0 : i32
        %dma_start3A_206 = tpu.memref_slice %arg5[%dma_start3A_204, %dma_start3A_205] : memref<10240x128xf32, #tpu.memory_space<vmem_shared>> -> memref<10240x128xf32, #tpu.memory_space<vmem_shared>>
        tpu.enqueue_indirect_dma source(%arg11 : memref<40x128xf32, #tpu.memory_space<vmem>>) target(%dma_start3A_206 : memref<10240x128xf32, #tpu.memory_space<vmem_shared>>) offsets(%arg9 : memref<40xi32, #tpu.memory_space<vmem>>) semaphore(%arg14 : memref<!tpu.dma_semaphore, #tpu.memory_space<semaphore_mem>>) {add = true}
      } else {
      }
      %add3A_160 = arith.constant 6 : i32
      %add3A_161 = arith.addi %add3A_50, %add3A_160 : i32
      %lt3A_162 = arith.constant 63 : i32
      %lt3A_163 = arith.cmpi slt, %add3A_161, %lt3A_162 : i32
      %convert_element_type3A_164 = arith.extui %lt3A_163 : i1 to i32
      %cond3A_165 = arith.constant 0 : i32
      %cond3A_166 = arith.cmpi ne, %convert_element_type3A_164, %cond3A_165 : i32
      scf.if %cond3A_166 {
        %add3A_167 = arith.constant 6 : i32
        %add3A_168 = arith.addi %add3A_50, %add3A_167 : i32
        %mul3A_169 = arith.constant 160 : i32
        %mul3A_170 = arith.muli %add3A_168, %mul3A_169 : i32
        %add3A_171 = arith.addi %mul3A_29, %mul3A_170 : i32
        %mul3A_172 = arith.constant 160 : i32
        %mul3A_173 = arith.muli %rem3A_51, %mul3A_172 : i32
        %dma_start3A_174 = tpu.memref_slice %arg6[%mul3A_173] : memref<960xi32, #tpu.memory_space<vmem>> -> memref<160xi32, #tpu.memory_space<vmem>>
        %dma_start3A_175 = tpu.memref_slice %arg2[%add3A_171] : memref<320080xi32, #tpu.memory_space<hbm>> -> memref<160xi32, #tpu.memory_space<hbm>>
        %dma_start3A_176 = tpu.memref_slice %arg12[%rem3A_51] : memref<6x!tpu.dma_semaphore, #tpu.memory_space<semaphore_mem>> -> memref<1x!tpu.dma_semaphore, #tpu.memory_space<semaphore_mem>>
        %dma_start3A_177 = tpu.memref_squeeze %dma_start3A_176 : memref<1x!tpu.dma_semaphore, #tpu.memory_space<semaphore_mem>> -> memref<!tpu.dma_semaphore, #tpu.memory_space<semaphore_mem>>
        %dma_start3A_178 = tpu.memref_slice %arg6[%mul3A_173] : memref<960xi32, #tpu.memory_space<vmem>> -> memref<160xi32, #tpu.memory_space<vmem>>
        %dma_start3A_179 = tpu.memref_slice %arg2[%add3A_171] : memref<320080xi32, #tpu.memory_space<hbm>> -> memref<160xi32, #tpu.memory_space<hbm>>
        tpu.enqueue_dma source(%dma_start3A_179 : memref<160xi32, #tpu.memory_space<hbm>>) target(%dma_start3A_178 : memref<160xi32, #tpu.memory_space<vmem>>) target_semaphore(%dma_start3A_177 : memref<!tpu.dma_semaphore, #tpu.memory_space<semaphore_mem>>)
        %mul3A_180 = arith.constant 16 : i32
        %mul3A_181 = arith.muli %add3A_171, %mul3A_180 : i32
        %mul3A_182 = arith.constant 16 : i32
        %mul3A_183 = arith.muli %mul3A_173, %mul3A_182 : i32
        %dma_start3A_184 = tpu.memref_slice %arg7[%mul3A_183] : memref<15360xf32, #tpu.memory_space<vmem>> -> memref<2560xf32, #tpu.memory_space<vmem>>
        %dma_start3A_185 = tpu.memref_slice %arg3[%mul3A_181] : memref<5121280xf32, #tpu.memory_space<hbm>> -> memref<2560xf32, #tpu.memory_space<hbm>>
        %dma_start3A_186 = tpu.memref_slice %arg12[%rem3A_51] : memref<6x!tpu.dma_semaphore, #tpu.memory_space<semaphore_mem>> -> memref<1x!tpu.dma_semaphore, #tpu.memory_space<semaphore_mem>>
        %dma_start3A_187 = tpu.memref_squeeze %dma_start3A_186 : memref<1x!tpu.dma_semaphore, #tpu.memory_space<semaphore_mem>> -> memref<!tpu.dma_semaphore, #tpu.memory_space<semaphore_mem>>
        %dma_start3A_188 = tpu.memref_slice %arg7[%mul3A_183] : memref<15360xf32, #tpu.memory_space<vmem>> -> memref<2560xf32, #tpu.memory_space<vmem>>
        %dma_start3A_189 = tpu.memref_slice %arg3[%mul3A_181] : memref<5121280xf32, #tpu.memory_space<hbm>> -> memref<2560xf32, #tpu.memory_space<hbm>>
        tpu.enqueue_dma source(%dma_start3A_189 : memref<2560xf32, #tpu.memory_space<hbm>>) target(%dma_start3A_188 : memref<2560xf32, #tpu.memory_space<vmem>>) target_semaphore(%dma_start3A_187 : memref<!tpu.dma_semaphore, #tpu.memory_space<semaphore_mem>>)
      } else {
      }
    }
    %scan3A_39 = arith.constant 63 : i32
    %dma_wait3A = arith.constant 0 : i32
    %dma_wait3A_40 = arith.constant 0 : i32
    %dma_wait3A_41 = tpu.memref_slice %arg5[%dma_wait3A, %dma_wait3A_40] : memref<10240x128xf32, #tpu.memory_space<vmem_shared>> -> memref<10240x128xf32, #tpu.memory_space<vmem_shared>>
    tpu.wait_indirect_dma semaphore(%arg13 : memref<!tpu.dma_semaphore, #tpu.memory_space<semaphore_mem>>) src(%arg10 : memref<40x128xf32, #tpu.memory_space<vmem>>) dst(%dma_wait3A_41 : memref<10240x128xf32, #tpu.memory_space<vmem_shared>>)
    %dma_wait3A_42 = arith.constant 0 : i32
    %dma_wait3A_43 = arith.constant 0 : i32
    %dma_wait3A_44 = tpu.memref_slice %arg5[%dma_wait3A_42, %dma_wait3A_43] : memref<10240x128xf32, #tpu.memory_space<vmem_shared>> -> memref<10240x128xf32, #tpu.memory_space<vmem_shared>>
    tpu.wait_indirect_dma semaphore(%arg14 : memref<!tpu.dma_semaphore, #tpu.memory_space<semaphore_mem>>) src(%arg11 : memref<40x128xf32, #tpu.memory_space<vmem>>) dst(%dma_wait3A_44 : memref<10240x128xf32, #tpu.memory_space<vmem_shared>>)
    %barrier3A_45 = arith.constant 0 : index
    tpu.barrier barrier_id(%barrier3A_45)
    "tpu.region"() ({
      %run_scoped3A = tpu.sem_alloc : memref<!tpu.dma_semaphore, #tpu.memory_space<semaphore_mem>>
      %dma_start3A = arith.constant 0 : i32
      %dma_start3A_46 = tpu.memref_slice %arg4[%arg0, %mul3A_5, %dma_start3A] : memref<2x10240x128xf32, #tpu.memory_space<hbm>> -> memref<1x640x128xf32, #tpu.memory_space<hbm>>
      %dma_start3A_47 = tpu.memref_squeeze %dma_start3A_46 : memref<1x640x128xf32, #tpu.memory_space<hbm>> -> memref<640x128xf32, #tpu.memory_space<hbm>>
      %dma_start3A_48 = arith.constant 0 : i32
      %dma_start3A_49 = tpu.memref_slice %arg5[%mul3A_5, %dma_start3A_48] : memref<10240x128xf32, #tpu.memory_space<vmem_shared>> -> memref<640x128xf32, #tpu.memory_space<vmem_shared>>
      tpu.enqueue_dma source(%dma_start3A_49 : memref<640x128xf32, #tpu.memory_space<vmem_shared>>) target(%dma_start3A_47 : memref<640x128xf32, #tpu.memory_space<hbm>>) target_semaphore(%run_scoped3A : memref<!tpu.dma_semaphore, #tpu.memory_space<semaphore_mem>>)
      %dma_wait3A_50 = arith.constant 0 : i32
      %dma_wait3A_51 = tpu.memref_slice %arg4[%arg0, %mul3A_5, %dma_wait3A_50] : memref<2x10240x128xf32, #tpu.memory_space<hbm>> -> memref<1x640x128xf32, #tpu.memory_space<hbm>>
      %dma_wait3A_52 = tpu.memref_squeeze %dma_wait3A_51 : memref<1x640x128xf32, #tpu.memory_space<hbm>> -> memref<640x128xf32, #tpu.memory_space<hbm>>
      %dma_wait3A_53 = arith.constant 0 : i32
      %dma_wait3A_54 = tpu.memref_slice %arg5[%mul3A_5, %dma_wait3A_53] : memref<10240x128xf32, #tpu.memory_space<vmem_shared>> -> memref<640x128xf32, #tpu.memory_space<vmem_shared>>
      tpu.wait_dma2 semaphore(%run_scoped3A : memref<!tpu.dma_semaphore, #tpu.memory_space<semaphore_mem>>) src(%dma_wait3A_54 : memref<640x128xf32, #tpu.memory_space<vmem_shared>>) dst(%dma_wait3A_52 : memref<640x128xf32, #tpu.memory_space<hbm>>)
      tpu.yield
    }) : () -> ()
    return
  }
}

module attributes {stable_mosaic.version = 14 : i64} {
  func.func @_divide_body(%arg0: memref<2x10240x128xf32, #tpu.memory_space<vmem>>, %arg1: memref<10240x128xf32, #tpu.memory_space<vmem>>) attributes {dimension_semantics = [], scalar_prefetch = 0 : i64, scratch_operands = 0 : i64, tpu.core_type = #tpu.core_type<tc>} {
    %get3A = arith.constant 0 : index
    %get3A_0 = arith.constant 0 : index
    %get3A_1 = arith.constant 0 : index
    %get3A_2 = vector.load %arg0[%get3A, %get3A_0, %get3A_1] : memref<2x10240x128xf32, #tpu.memory_space<vmem>>, vector<1x10240x128xf32>
    %get3A_3 = vector.shape_cast %get3A_2 : vector<1x10240x128xf32> to vector<10240x128xf32>
    %get3A_4 = arith.constant 1 : index
    %get3A_5 = arith.constant 0 : index
    %get3A_6 = arith.constant 0 : index
    %get3A_7 = vector.load %arg0[%get3A_4, %get3A_5, %get3A_6] : memref<2x10240x128xf32, #tpu.memory_space<vmem>>, vector<1x10240x128xf32>
    %get3A_8 = vector.shape_cast %get3A_7 : vector<1x10240x128xf32> to vector<10240x128xf32>
    %add3A = arith.addf %get3A_3, %get3A_8 : vector<10240x128xf32>
    %slice3A = vector.extract_strided_slice %add3A {offsets = [0, 16], sizes = [10240, 1], strides = [1, 1]} : vector<10240x128xf32> to vector<10240x1xf32>
    %max3A = arith.constant 1.000000e+00 : f32
    %max3A_9 = vector.broadcast %max3A : f32 to vector<10240x1xf32>
    %max3A_10 = arith.maximumf %slice3A, %max3A_9 : vector<10240x1xf32>
    %div3A = vector.broadcast %max3A_10 : vector<10240x1xf32> to vector<10240x128xf32>
    %div3A_11 = arith.divf %add3A, %div3A : vector<10240x128xf32>
    %swap3A = arith.constant 0 : index
    %swap3A_12 = arith.constant 0 : index
    %swap3A_13 = vector.load %arg1[%swap3A, %swap3A_12] : memref<10240x128xf32, #tpu.memory_space<vmem>>, vector<10240x128xf32>
    tpu.vector_store %arg1[%swap3A, %swap3A_12], %div3A_11 {strides = array<i32>} : memref<10240x128xf32, #tpu.memory_space<vmem>>, vector<10240x128xf32>,
    return
  }
}

</mosaic_0001>

<sc_bundles>
// kernel: kernel.4.cloned.1.call-start
scs
__scs_entry_jumppad:
0x0: {  	(pc) =	sbr.rel $0x88, $3  }
0x1: {  	(tag) =	ssettag $0x0;
	lr =	simm.s32 $0x1  }
0x2: {  	[smem:$0x3F9F] =	sst lr;
	_ =	strace $0xD0000000  }
0x3: {  	_ = 	snop  }
0x4: {  	_ = 	snop  }
0x5: {  	_ = 	snop  }
0x6: {  	_ = 	snop  }
0x7: {  	_ = 	snop  }
__scs_overlays_trampoline_lowered:
0x8: {  	[smem:$0x3FAE] =	sst s0  }
0x9: {  	[smem:$0x3FAF] =	sst s1  }
0xa: {  	[smem:$0x3FB0] =	sst s2  }
0xb: {  	[smem:$0x3FB1] =	sst s3  }
0xc: {  	[smem:$0x3FB2] =	sst s4  }
0xd: {  	[smem:$0x3FB3] =	sst s5  }
0xe: {  	[smem:$0x3FB4] =	sst s6  }
0xf: {  	[smem:$0x3FB5] =	sst s7  }
0x10: {  	[smem:$0x3FB6] =	sst s8  }
0x11: {  	[smem:$0x3FB7] =	sst s9;
	s0 =	simm.s32 @!p0 $0x0  }
0x12: {  	s1 =	sld [smem:$0x3F9D];
	s0 =	simm.s32 @p0 $0x1  }
0x13: {  	[smem:$0x3FB8] =	sst s0;
	s0 =	simm.s32 @!p1 $0x0  }
0x14: {  	s2 =	sld [smem:$0x3F9C];
	s0 =	simm.s32 @p1 $0x1  }
0x15: {  	[smem:$0x3FB9] =	sst s0;
	s0 =	simm.s32 @!p2 $0x0  }
0x16: {  	s3 =	sld [smem:$0x3FDB];
	s0 =	simm.s32 @p2 $0x1  }
0x17: {  	s4 =	simm.s32 $0x1BF5;
	[smem:$0x3FBB] =	sst s0  }
0x18: {  	s0 =	sld [smem:$0x3F9E];
	_ =	swait.ge [sflag:s4], $0x0  }
0x19: {  	s7 =	sld [smem:$0x3F9F]  }
0x1a: {  	s8 =	sadd.s32 $0xFFFFE003, lr  }
0x1b: {  	s9 =	sadd.s32 $0xFFFFFEF7, lr;
	s5 =	simm.s32 $0xFFFFFFFF;
	p2 =	slt.u32 s8, $0xFFFFF086  }
0x1c: {  	p1 =	slt.u32 s9, $0xF7A;
	s5 =	simm.s32 @!p2 $0x0  }
0x1d: {  	s5 =	simm.s32 @p1 $0x1;
	p0 =	seq.s32 s7, s2  }
0x1e: {  	s7 =	smul.u32 @!p0 $0xF7A, s2;
	p2 =	seq.s32 @!p0 s5, $0x0  }
0x1f: {  	s9 =	smul.u32 $0xF7A, s1;
	s8 =	simm.s32 @!p0 $0x1BF5;
	p2 =	por !p2, p0  }
0x20: {  	[sflag:s8] =	ssyncset.s32 @!p0 $0xFFFFF086;
	s6 =	sadd.s32 @!p0 s3, s7;
	s7 =	simm.s32 @!p0 $0x108  }
0x21: {  	s3 =	sadd.s32 s3, s9;
	s6 =	sadd.s32 @!p0 $0x88, s6;
	s7 =	simm.s32 @p2 $0x1082  }
0x22: {  	[simem:s7], [sflag:s8] =	dma.local @!p0 [hbm:s6], $0xF7A  }
0x23: {  	s9 =	sor.u32 $0xD0000000, s2;
	s6 =	simm.s32 $0x108;
	_ =	swait.ge @!p0 [sflag:s8], $0x0  }
0x24: {  	s3 =	sadd.s32 $0x88, s3;
	s6 =	simm.s32 @!p1 $0x1082;
	[sflag:s4] =	ssyncset.s32 $0xFFFFF086  }
0x25: {  	[simem:s6], [sflag:s4] =	dma.local [hbm:s3], $0xF7A  }
0x26: {  	[smem:$0x3F9F] =	sst s1;
	(tag) =	ssettag s2;
	_ =	strace s9  }
0x27: {  	s1 =	sld [smem:$0x3FAF]  }
0x28: {  	s2 =	sld [smem:$0x3FB0]  }
0x29: {  	s4 =	sld [smem:$0x3FB2]  }
0x2a: {  	p0 =	seq.s32 s5, $0x0;
	s5 =	sld [smem:$0x3FB3]  }
0x2b: {  	s6 =	sld [smem:$0x3FB4]  }
0x2c: {  	s7 =	sld [smem:$0x3FB5]  }
0x2d: {  	s3 =	simm.s32 $0x108;
	s8 =	sld [smem:$0x3FB6]  }
0x2e: {  	s3 =	simm.s32 @!p0 $0x1082;
	s9 =	sld [smem:$0x3FB7]  }
0x2f: {  	lr =	sadd.s32 s0, s3;
	s0 =	sld [smem:$0x3FAE]  }
0x30: {  	s3 =	sld [smem:$0x3FB1]  }
0x31: {  	[smem:$0x3FBA] =	sst s10  }
0x32: {  	s10 =	sld [smem:$0x3FB8];
	_ =	sdelay $0x3  }
0x33: {  	p0 =	seq.s32 s10, $0x1;
	s10 =	sld [smem:$0x3FBA];
	_ =	sdelay $0x3  }
0x34: {  	[smem:$0x3FBA] =	sst s10  }
0x35: {  	s10 =	sld [smem:$0x3FB9];
	_ =	sdelay $0x3  }
0x36: {  	p1 =	seq.s32 s10, $0x1;
	s10 =	sld [smem:$0x3FBA];
	_ =	sdelay $0x3  }
0x37: {  	[smem:$0x3FBA] =	sst s10  }
0x38: {  	s10 =	sld [smem:$0x3FBB]  }
0x39: {  	_ = 	snop;
	(pc) =	sbr.ind lr, $3  }
0x3a: {  	_ = 	snop  }
0x3b: {  	_ = 	snop  }
0x3c: {  	p2 =	seq.s32 s10, $0x1;
	s10 =	sld [smem:$0x3FBA]  }
0x3d: {  	_ =	shalt  }
0x3e: {  	_ =	shalt  }
0x3f: {  	_ =	shalt  }
0x40: {  	_ =	shalt  }
0x41: {  	_ =	shalt  }
0x42: {  	_ =	shalt  }
0x43: {  	_ =	shalt  }
0x44: {  	_ =	shalt  }
0x45: {  	_ =	shalt  }
0x46: {  	_ =	shalt  }
0x47: {  	_ =	shalt  }
0x48: {  	_ =	shalt  }
0x49: {  	_ =	shalt  }
0x4a: {  	_ =	shalt  }
0x4b: {  	_ =	shalt  }
0x4c: {  	_ =	shalt  }
0x4d: {  	_ =	shalt  }
0x4e: {  	_ =	shalt  }
0x4f: {  	_ =	shalt  }
0x50: {  	_ =	shalt  }
0x51: {  	_ =	shalt  }
0x52: {  	_ =	shalt  }
0x53: {  	_ =	shalt  }
0x54: {  	_ =	shalt  }
0x55: {  	_ =	shalt  }
0x56: {  	_ =	shalt  }
0x57: {  	_ =	shalt  }
0x58: {  	_ =	shalt  }
0x59: {  	_ =	shalt  }
0x5a: {  	_ =	shalt  }
0x5b: {  	_ =	shalt  }
0x5c: {  	_ =	shalt  }
0x5d: {  	_ =	shalt  }
0x5e: {  	_ =	shalt  }
0x5f: {  	_ =	shalt  }
0x60: {  	_ =	shalt  }
0x61: {  	_ =	shalt  }
0x62: {  	_ =	shalt  }
0x63: {  	_ =	shalt  }
0x64: {  	_ =	shalt  }
0x65: {  	_ =	shalt  }
0x66: {  	_ =	shalt  }
0x67: {  	_ =	shalt  }
0x68: {  	_ =	shalt  }
0x69: {  	_ =	shalt  }
0x6a: {  	_ =	shalt  }
0x6b: {  	_ =	shalt  }
0x6c: {  	_ =	shalt  }
0x6d: {  	_ =	shalt  }
0x6e: {  	_ =	shalt  }
0x6f: {  	_ =	shalt  }
0x70: {  	_ =	shalt  }
0x71: {  	_ =	shalt  }
0x72: {  	_ =	shalt  }
0x73: {  	_ =	shalt  }
0x74: {  	_ =	shalt  }
0x75: {  	_ =	shalt  }
0x76: {  	_ =	shalt  }
0x77: {  	_ =	shalt  }
0x78: {  	_ =	shalt  }
0x79: {  	_ =	shalt  }
0x7a: {  	_ =	shalt  }
0x7b: {  	_ =	shalt  }
0x7c: {  	_ =	shalt  }
0x7d: {  	_ =	shalt  }
0x7e: {  	_ =	shalt  }
0x7f: {  	_ =	shalt  }
0x80: {  	_ =	shalt  }
0x81: {  	_ =	shalt  }
0x82: {  	_ =	shalt  }
0x83: {  	_ =	shalt  }
0x84: {  	_ =	shalt  }
0x85: {  	_ =	shalt  }
0x86: {  	_ =	shalt  }
0x87: {  	_ =	shalt  }
.Lfunc_end0:
.L_simem_size_0:
called_computation_lowered:
.L_overlay_start_0:
0x88: {  	s2 =	sld [smem:$0x3FD9]  }
0x89: {  	s3 =	sld [smem:$0x3FFE];
	_ =	sdelay $0x1  }
0x8a: {  	s1 =	srdreg.scid  }
0x8b: {  	s0 =	sand.u32 $0x1, s1  }
0x8c: {  	s16 =	sshll.u32 s0, $0xA;
	s2 =	sadd.s32 s3, s2  }
0x8d: {  	s2 =	sadd.s32 s2, s16  }
0x8e: {  	[smem:$0x3FC6] =	sst s2  }
0x8f: {  	_ = 	snop  }
0x90: {  	(tm) =	ssettm $0x1  }
0x91: {  	s17 =	sld [smem:$0x3FFB];
	_ =	sdelay $0x3  }
0x92: {  	_ =	strace s17  }
0x93: {  	s2 =	sld [smem:$0x3FFC];
	_ =	sdelay $0x3  }
0x94: {  	_ =	strace s2  }
0x95: {  	s2 =	sld [smem:$0x3FFD];
	_ =	sdelay $0x3  }
0x96: {  	_ =	strace s2  }
0x97: {  	_ =	strace $0x8FFFFFFF  }
0x98: {  	s18 =	sld [smem:$0x3FDB];
	_ =	sdelay $0x1  }
0x99: {  	s19 =	simm.s32 $_scs_section_size  }
0x9a: {  	s4 =	simm.s32 $_size__tile_overlayer_lowered;
	s5 =	simm.s32 $_tile_overlayer_lowered  }
0x9b: {  	s22 =	simm.s32 $0x1BFF;
	s21 =	sshll.u32 s5, $0x1;
	s2 =	sadd.s32 s19, s18  }
0x9c: {  	s6 =	simm.s32 $0x0;
	s20 =	sshll.u32 s4, $0x1;
	s4 =	sadd.s32 s21, s2  }
0x9d: {  	[timem:s6], [sflag:s22] =	dma.local [hbm:s4], s20  }
0x9e: {  	_ =	swait.ge [sflag:s22], s20  }
0x9f: {  	s3 =	ssub.s32 $0x0, s20;
	[sflag:s22] =	ssyncset.done $0x0  }
0xa0: {  	[sflag:s22] =	ssyncadd.s32 s3;
	_ =	sdelay $0x1  }
0xa1: {  	s23 =	simm.s32 $0x1B8B  }
0xa2: {  	_ =	swait.ge [sflag:s23], $0x1  }
0xa3: {  	[sflag:s23] =	ssyncset.done $0x0  }
0xa4: {  	s25 =	simm.s32 $0x1B8E;
	s24 =	sld [smem:$0x3FFE];
	[sflag:s23] =	ssyncadd.s32 $0xFFFFFFFF  }
0xa5: {  	s26 =	simm.s32 $execute0_lowered;
	[smem:$0x3FD2] =	sst s25  }
0xa6: {  	s4 =	sshll.u32 s26, $0x1;
	_ =	strace $0x80000046;
	[dreg:$0x1] =	wrdreg $0xFFFFFFFF  }
0xa7: {  	s28 =	simm.s32 $_size_execute0_lowered;
	s2 =	sadd.s32 s2, s4;
	[dreg:$0x0] =	wrdreg $0x0  }
0xa8: {  	s4 =	sshll.u32 s28, $0x1;
	[dreg:$0x2] =	wrdreg s2  }
0xa9: {  	[dreg:$0x3] =	wrdreg s4  }
0xaa: {  	[dreg:$0x4] =	wrdreg $0xC0  }
0xab: {  	_ =	task [dreg:s6], $0x5FFFF  }
0xac: {  	[dreg:$0x1] =	wrdreg $0xFFFFFFFF  }
0xad: {  	[dreg:$0x0] =	wrdreg $0x60  }
0xae: {  	[dreg:$0x2] =	wrdreg s24  }
0xaf: {  	[dreg:$0x3] =	wrdreg $0x0  }
0xb0: {  	[dreg:$0x4] =	wrdreg $0x9  }
0xb1: {  	_ =	task.clear_ibuf [dreg:s6], $0x5FFFF;
	_ =	strace $0x90000046  }
0xb2: {  	s29 =	simm.s32 $0x9;
	_ =	strace $0x80000048  }
0xb3: {  	_ =	swait.ge [sflag:s29], $0x1  }
0xb4: {  	[sflag:s29] =	ssyncadd.s32 $0xFFFFFFFF  }
0xb5: {  	_ =	strace $0x90000048  }
0xb6: {  	_ =	sfence  }
0xb7: {  	s30 =	sld [smem:$0x0];
	_ =	sdelay $0x2  }
0xb8: {  	s31 =	sshll.u32 s1, $0xD;
	s1 =	sshrl.u32 s1, $0x2  }
0xb9: {  	s3 =	sand.u32 $0x4000, s31;
	s1 =	sadd.s32 s1, s30  }
0xba: {  	s0 =	sor.u32 s3, s0;
	s1 =	sshll.u32 s1, $0x11  }
0xbb: {  	s0 =	sor.u32 s1, s0  }
0xbc: {  	s0 =	sadd.s32 $0x8F2B, s0  }
0xbd: {  	[sflag:s0] =	ssyncadd.remote.s32 $0x1  }
0xbe: {  	_ =	sfence.sel $0xFFFF  }
0xbf: {  	[dreg:$0x0] =	wrdreg $0xFFFFFFFF;
	(pc) =	sbr.abs _section_cstart, $3  }
0xc0: {  	[dreg:$0x1] =	wrdreg $0xFFFFFFFF  }
0xc1: {  	_ =	task.clear_ibuf [dreg:s6], $0x2FFFF;
	_ =	strace $0x9FFFFFFF  }
0xc2: {  	(tm) =	ssettm $0x7FFFFFFF  }
0xc3: {  	_ =	shalt  }
tec
execute0_lowered:
.L_overlay_start_1:
0x0: {  	(tag) =	ssettag $0x1  }
0x1: {  	s0 =	rddreg [dreg:$0x0]  }
0x2: {  	s1 =	rddreg [dreg:$0x1]  }
0x3: {  	s2 =	srdreg.scid;
	s8 =	stileid.u32  }
0x4: {  	s3 =	simm.s32 $0x0;
	s2 =	sand.u32 $0x1, s2;
	s6 =	smul.u32 $0x14000, s8  }
0x5: {  	[smem:$0x7FF] =	sst s3;
	s5 =	smul.u32 $0x140000, s2;
	s4 =	sshll.u32 s2, $0x4  }
0x6: {  	_ =	strace $0x80000047;
	s2 =	ssub.s32 $0x2, s2;
	s7 =	sor.u32 s8, s4  }
0x7: {  	s4 =	sadd.s32 $0x9CA00, s0;
	s8 =	smul.u32 $0x50000, s8;
	s20 =	sshrl.u32 s2, $0x1  }
0x8: {  	s5 =	sadd.s32 s6, s5;
	s9 =	smul.u32 $0x2710, s7;
	s2 =	ssub.s32 s2, s20  }
0x9: {  	s24 =	smul.u32 $0x4E20, s7;
	s6 =	sshrl.u32 s5, $0x3;
	s5 =	sadd.s32 $0x400, s0  }
0xa: {  	s8 =	sshrl.u32 s8, $0x2;
	s21 =	smax.u32 s2, $0x1;
	s0 =	sadd.s32 s6, s0  }
0xb: {  	s8 =	sadd.s32 s8, s1;
	[dreg:$0x4] =	wrdreg s21;
	s0 =	sadd.s32 $0xA6800, s0  }
0xc: {  	s28 =	sshrl.u32 s9, $0x3;
	s22 =	sadd.s32 $0x1400, s8;
	[dreg:$0x3] =	wrdreg s0  }
0xd: {  	s29 =	sadd.s32 $0xA0, s9;
	s23 =	sadd.s32 $0x2800, s8;
	[dreg:$0x5] =	wrdreg s22  }
0xe: {  	s31 =	sadd.s32 $0x140, s9;
	s25 =	sadd.s32 $0x3C00, s8;
	[dreg:$0x6] =	wrdreg s23  }
0xf: {  	s14 =	sadd.s32 $0x280, s9;
	s26 =	sadd.s32 $0x5000, s8;
	[dreg:$0x7] =	wrdreg s25  }
0x10: {  	s18 =	sadd.s32 $0x320, s9;
	s2 =	sadd.s32 s4, s28;
	[dreg:$0x8] =	wrdreg s26  }
0x11: {  	s10 =	sshrl.u32 s31, $0x3;
	s28 =	sadd.s32 $0xC800, s8;
	[dreg:$0x9] =	wrdreg s2  }
0x12: {  	s11 =	sshll.u32 s31, $0x1;
	s31 =	sadd.s32 $0x10400, s8;
	[dreg:$0x1a] =	wrdreg s28  }
0x13: {  	s30 =	sshrl.u32 s29, $0x3;
	s0 =	sadd.s32 s5, s24;
	[dreg:$0x1d] =	wrdreg s31  }
0x14: {  	s16 =	sshrl.u32 s14, $0x3;
	s2 =	sadd.s32 s4, s30;
	[dreg:$0xa] =	wrdreg s0  }
0x15: {  	s20 =	sshrl.u32 s18, $0x3;
	s17 =	sadd.s32 s4, s16;
	[dreg:$0xb] =	wrdreg s2  }
0x16: {  	s21 =	sadd.s32 s4, s20;
	[dreg:$0x11] =	wrdreg s17  }
0x17: {  	s22 =	sadd.s32 $0x6400, s8;
	[dreg:$0x13] =	wrdreg s21  }
0x18: {  	s6 =	sadd.s32 $0x3C0, s9;
	s23 =	sadd.s32 $0x7800, s8;
	[dreg:$0x15] =	wrdreg s22  }
0x19: {  	s12 =	sadd.s32 $0x1E0, s9;
	s24 =	sadd.s32 $0x8C00, s8;
	[dreg:$0x16] =	wrdreg s23  }
0x1a: {  	s13 =	sshrl.u32 s12, $0x3;
	s25 =	sadd.s32 $0xA000, s8;
	[dreg:$0x17] =	wrdreg s24  }
0x1b: {  	s15 =	sshll.u32 s12, $0x1;
	s26 =	sadd.s32 $0xB400, s8;
	[dreg:$0x18] =	wrdreg s25  }
0x1c: {  	s19 =	sshll.u32 s14, $0x1;
	s30 =	sadd.s32 $0xF000, s8;
	[dreg:$0x19] =	wrdreg s26  }
0x1d: {  	s12 =	simm.s32 $0x18100;
	s2 =	sadd.s32 s5, s19;
	[dreg:$0x1c] =	wrdreg s30  }
0x1e: {  	s0 =	sshll.u32 s29, $0x1;
	s29 =	sadd.s32 $0xDC00, s8;
	[dreg:$0x12] =	wrdreg s2  }
0x1f: {  	s14 =	simm.s32 $0x28;
	s0 =	sadd.s32 s5, s0;
	[dreg:$0x1b] =	wrdreg s29  }
0x20: {  	s16 =	simm.s32 $0x18080;
	[dreg:$0xc] =	wrdreg s0;
	s0 =	sadd.s32 s4, s10  }
0x21: {  	s17 =	simm.s32 $0x19500;
	[dreg:$0xd] =	wrdreg s0;
	s0 =	sadd.s32 s5, s11  }
.Ltmp0:
0x22: {  	[dreg:$0xe] =	wrdreg s0;
	s0 =	sadd.s32 s4, s13;
	(pc) =	sbr.rel .LBB2_1-.Ltmp0, $4  }
0x23: {  	s19 =	simm.s32 $0x8;
	[dreg:$0xf] =	wrdreg s0;
	s0 =	sadd.s32 s5, s15  }
0x24: {  	s10 =	sadd.s32 $0x11800, s8;
	[dreg:$0x10] =	wrdreg s0;
	s0 =	sshll.u32 s18, $0x1  }
0x25: {  	v0 =	vimm.f32 $0.0e+00;
	vm0 =	vcmask $0x300;
	s11 =	sadd.s32 $0x12C00, s8;
	s13 =	simm.s32 $0x9;
	s0 =	sadd.s32 s5, s0  }
0x26: {  	v1 =	vsel vm0, $0x3F800000, v0;
	s15 =	simm.s32 $0x18000;
	s18 =	simm.s32 $0x7;
	[dreg:$0x14] =	wrdreg s0  }
.LBB2_16:
0x27: {  	_ =	swait.ge [sflag:s18], $0x1400  }
0x28: {  	[sflag:s18] =	ssyncset.done $0x0  }
0x29: {  	[sflag:s18] =	ssyncadd.s32 $0xFFFFEC00  }
0x2a: {  	_ =	swait.ge [sflag:s19], $0x1400  }
0x2b: {  	[sflag:s19] =	ssyncset.done $0x0  }
0x2c: {  	s0 =	stileid.u32;
	[sflag:s19] =	ssyncadd.s32 $0xFFFFEC00  }
0x2d: {  	s0 =	sshll.u32 s0, $0x6;
	[bflag:$0x0] =	sbarrier.arrive $0xFFFF  }
0x2e: {  	s2 =	sshrl.u32 s8, $0x3;
	s0 =	sor.u32 $0x1C09, s0;
	s7 =	rddreg [dreg:$0x3]  }
0x2f: {  	[hbm:s7], [sflag:s0] =	dma.local [spmem:s2], $0x2800  }
0x30: {  	_ =	swait.ge [sflag:s13], $0x2800  }
0x31: {  	s3 =	sadd.s32 $0x1, s3;
	s31 =	rddreg [dreg:$0x4]  }
0x32: {  	p0 =	sne.s32 s3, s31  }
.Ltmp1:
0x33: {  	_ = 	snop;
	(pc) =	sbr.rel @!p0 .LBB2_17-.Ltmp1, $3  }
0x34: {  	_ =	sdelay $0x1  }
0x35: {  	[sflag:s13] =	ssyncset.done $0x0  }
0x36: {  	[sflag:s13] =	ssyncadd.s32 $0xFFFFD800  }
.LBB2_1:
0x37: {  	s0 =	simm.s32 $0x70;
	s2 =	simm.s32 $0x3C0  }
.LBB2_2:
0x38: {  	p0 =	sne.s32 s2, $0x4FC0;
	[tilespmem:s0+$0x18100] =	vst v0  }
0x39: {  	[tilespmem:s0+$0x18090] =	vst v0  }
0x3a: {  	[tilespmem:s0+$0x180A0] =	vst v0  }
.Ltmp2:
0x3b: {  	[tilespmem:s0+$0x180B0] =	vst v0;
	(pc) =	sbr.rel @p0 .LBB2_2-.Ltmp2, $4  }
0x3c: {  	[tilespmem:s0+$0x180C0] =	vst v0  }
0x3d: {  	[tilespmem:s0+$0x180D0] =	vst v0  }
0x3e: {  	[tilespmem:s0+$0x180E0] =	vst v0  }
0x3f: {  	[tilespmem:s0+$0x180F0] =	vst v0;
	s0 =	sshra.s32 s2, $0x2;
	s2 =	sadd.s32 $0x200, s2  }
0x40: {  	[tilespmem:s0+$0x18100] =	vst v0  }
0x41: {  	[tilespmem:s0+$0x18090] =	vst v0  }
0x42: {  	[tilespmem:s0+$0x180A0] =	vst v0  }
0x43: {  	[tilespmem:s0+$0x180B0] =	vst v0  }
0x44: {  	[tilespmem:s0+$0x180C0] =	vst v0  }
0x45: {  	[tilespmem:s0+$0x180D0] =	vst v0  }
0x46: {  	[tilespmem:s0+$0x180E0] =	vst v0  }
0x47: {  	[tilespmem:s0+$0x180F0] =	vst v0  }
0x48: {  	[spmem:s8] =	stream.linear.scatter [tilespmem:s12], [sflag:$0x9], $0x1400, $0x38;
	[tilespmem:$0x1A900] =	vst v63  }
0x49: {  	_ =	swait.ge [sflag:s13], $0x1400  }
0x4a: {  	[sflag:s13] =	ssyncset.done $0x0  }
0x4b: {  	s7 =	rddreg [dreg:$0x5];
	[sflag:s13] =	ssyncadd.s32 $0xFFFFEC00  }
0x4c: {  	[spmem:s7] =	stream.linear.scatter [tilespmem:s12], [sflag:$0x9], $0x1400, $0x38;
	[tilespmem:$0x1A900] =	vst v63  }
0x4d: {  	_ =	swait.ge [sflag:s13], $0x1400  }
0x4e: {  	[sflag:s13] =	ssyncset.done $0x0  }
0x4f: {  	s9 =	rddreg [dreg:$0x6];
	[sflag:s13] =	ssyncadd.s32 $0xFFFFEC00  }
0x50: {  	[spmem:s9] =	stream.linear.scatter [tilespmem:s12], [sflag:$0x9], $0x1400, $0x38;
	[tilespmem:$0x1A900] =	vst v63  }
0x51: {  	_ =	swait.ge [sflag:s13], $0x1400  }
0x52: {  	[sflag:s13] =	ssyncset.done $0x0  }
0x53: {  	s20 =	rddreg [dreg:$0x7];
	[sflag:s13] =	ssyncadd.s32 $0xFFFFEC00  }
0x54: {  	[spmem:s20] =	stream.linear.scatter [tilespmem:s12], [sflag:$0x9], $0x1400, $0x38;
	[tilespmem:$0x1A900] =	vst v63  }
0x55: {  	_ =	swait.ge [sflag:s13], $0x1400  }
0x56: {  	[sflag:s13] =	ssyncset.done $0x0  }
0x57: {  	s21 =	rddreg [dreg:$0x8];
	[sflag:s13] =	ssyncadd.s32 $0xFFFFEC00  }
0x58: {  	[spmem:s21] =	stream.linear.scatter [tilespmem:s12], [sflag:$0x9], $0x1400, $0x38;
	[tilespmem:$0x1A900] =	vst v63  }
0x59: {  	_ =	swait.ge [sflag:s13], $0x1400  }
0x5a: {  	[sflag:s13] =	ssyncset.done $0x0  }
0x5b: {  	s22 =	rddreg [dreg:$0x15];
	[sflag:s13] =	ssyncadd.s32 $0xFFFFEC00  }
0x5c: {  	[spmem:s22] =	stream.linear.scatter [tilespmem:s12], [sflag:$0x9], $0x1400, $0x38;
	[tilespmem:$0x1A900] =	vst v63  }
0x5d: {  	_ =	swait.ge [sflag:s13], $0x1400  }
0x5e: {  	[sflag:s13] =	ssyncset.done $0x0  }
0x5f: {  	s23 =	rddreg [dreg:$0x16];
	[sflag:s13] =	ssyncadd.s32 $0xFFFFEC00  }
0x60: {  	[spmem:s23] =	stream.linear.scatter [tilespmem:s12], [sflag:$0x9], $0x1400, $0x38;
	[tilespmem:$0x1A900] =	vst v63  }
0x61: {  	_ =	swait.ge [sflag:s13], $0x1400  }
0x62: {  	[sflag:s13] =	ssyncset.done $0x0  }
0x63: {  	s24 =	rddreg [dreg:$0x17];
	[sflag:s13] =	ssyncadd.s32 $0xFFFFEC00  }
0x64: {  	[spmem:s24] =	stream.linear.scatter [tilespmem:s12], [sflag:$0x9], $0x1400, $0x38;
	[tilespmem:$0x1A900] =	vst v63  }
0x65: {  	_ =	swait.ge [sflag:s13], $0x1400  }
0x66: {  	[sflag:s13] =	ssyncset.done $0x0  }
0x67: {  	s25 =	rddreg [dreg:$0x18];
	[sflag:s13] =	ssyncadd.s32 $0xFFFFEC00  }
0x68: {  	[spmem:s25] =	stream.linear.scatter [tilespmem:s12], [sflag:$0x9], $0x1400, $0x38;
	[tilespmem:$0x1A900] =	vst v63  }
0x69: {  	_ =	swait.ge [sflag:s13], $0x1400  }
0x6a: {  	[sflag:s13] =	ssyncset.done $0x0  }
0x6b: {  	s26 =	rddreg [dreg:$0x19];
	[sflag:s13] =	ssyncadd.s32 $0xFFFFEC00  }
0x6c: {  	[spmem:s26] =	stream.linear.scatter [tilespmem:s12], [sflag:$0x9], $0x1400, $0x38;
	[tilespmem:$0x1A900] =	vst v63  }
0x6d: {  	_ =	swait.ge [sflag:s13], $0x1400  }
0x6e: {  	[sflag:s13] =	ssyncset.done $0x0  }
0x6f: {  	s28 =	rddreg [dreg:$0x1a];
	[sflag:s13] =	ssyncadd.s32 $0xFFFFEC00  }
0x70: {  	[spmem:s28] =	stream.linear.scatter [tilespmem:s12], [sflag:$0x9], $0x1400, $0x38;
	[tilespmem:$0x1A900] =	vst v63  }
0x71: {  	_ =	swait.ge [sflag:s13], $0x1400  }
0x72: {  	[sflag:s13] =	ssyncset.done $0x0  }
0x73: {  	s29 =	rddreg [dreg:$0x1b];
	[sflag:s13] =	ssyncadd.s32 $0xFFFFEC00  }
0x74: {  	[spmem:s29] =	stream.linear.scatter [tilespmem:s12], [sflag:$0x9], $0x1400, $0x38;
	[tilespmem:$0x1A900] =	vst v63  }
0x75: {  	_ =	swait.ge [sflag:s13], $0x1400  }
0x76: {  	[sflag:s13] =	ssyncset.done $0x0  }
0x77: {  	s30 =	rddreg [dreg:$0x1c];
	[sflag:s13] =	ssyncadd.s32 $0xFFFFEC00  }
0x78: {  	[spmem:s30] =	stream.linear.scatter [tilespmem:s12], [sflag:$0x9], $0x1400, $0x38;
	[tilespmem:$0x1A900] =	vst v63  }
0x79: {  	_ =	swait.ge [sflag:s13], $0x1400  }
0x7a: {  	[sflag:s13] =	ssyncset.done $0x0  }
0x7b: {  	s31 =	rddreg [dreg:$0x1d];
	[sflag:s13] =	ssyncadd.s32 $0xFFFFEC00  }
0x7c: {  	[spmem:s31] =	stream.linear.scatter [tilespmem:s12], [sflag:$0x9], $0x1400, $0x38;
	[tilespmem:$0x1A900] =	vst v63  }
0x7d: {  	_ =	swait.ge [sflag:s13], $0x1400  }
0x7e: {  	[sflag:s13] =	ssyncset.done $0x0  }
0x7f: {  	[sflag:s13] =	ssyncadd.s32 $0xFFFFEC00  }
0x80: {  	[spmem:s10] =	stream.linear.scatter [tilespmem:s12], [sflag:$0x9], $0x1400, $0x38;
	[tilespmem:$0x1A900] =	vst v63  }
0x81: {  	_ =	swait.ge [sflag:s13], $0x1400  }
0x82: {  	[sflag:s13] =	ssyncset.done $0x0  }
0x83: {  	[sflag:s13] =	ssyncadd.s32 $0xFFFFEC00  }
0x84: {  	[spmem:s11] =	stream.linear.scatter [tilespmem:s12], [sflag:$0x9], $0x1400, $0x38;
	[tilespmem:$0x1A900] =	vst v63  }
0x85: {  	_ =	swait.ge [sflag:s13], $0x1400  }
0x86: {  	[sflag:s13] =	ssyncset.done $0x0  }
0x87: {  	[sflag:s13] =	ssyncadd.s32 $0xFFFFEC00  }
0x88: {  	[tilespmem:$0x18110] =	vst v1  }
0x89: {  	[tilespmem:$0x18190] =	vst v1  }
0x8a: {  	[tilespmem:$0x18210] =	vst v1  }
0x8b: {  	[tilespmem:$0x18290] =	vst v1  }
0x8c: {  	[tilespmem:$0x18310] =	vst v1  }
0x8d: {  	[tilespmem:$0x18390] =	vst v1  }
0x8e: {  	[tilespmem:$0x18410] =	vst v1  }
0x8f: {  	[tilespmem:$0x18490] =	vst v1  }
0x90: {  	[tilespmem:$0x18510] =	vst v1  }
0x91: {  	[tilespmem:$0x18590] =	vst v1  }
0x92: {  	[tilespmem:$0x18610] =	vst v1  }
0x93: {  	[tilespmem:$0x18690] =	vst v1  }
0x94: {  	[tilespmem:$0x18710] =	vst v1  }
0x95: {  	[tilespmem:$0x18790] =	vst v1  }
0x96: {  	[tilespmem:$0x18810] =	vst v1  }
0x97: {  	[tilespmem:$0x18890] =	vst v1  }
0x98: {  	[tilespmem:$0x18910] =	vst v1  }
0x99: {  	[tilespmem:$0x18990] =	vst v1  }
0x9a: {  	[tilespmem:$0x18A10] =	vst v1  }
0x9b: {  	[tilespmem:$0x18A90] =	vst v1  }
0x9c: {  	[tilespmem:$0x18B10] =	vst v1  }
0x9d: {  	[tilespmem:$0x18B90] =	vst v1  }
0x9e: {  	[tilespmem:$0x18C10] =	vst v1  }
0x9f: {  	[tilespmem:$0x18C90] =	vst v1  }
0xa0: {  	[tilespmem:$0x18D10] =	vst v1  }
0xa1: {  	[tilespmem:$0x18D90] =	vst v1  }
0xa2: {  	[tilespmem:$0x18E10] =	vst v1  }
0xa3: {  	[tilespmem:$0x18E90] =	vst v1  }
0xa4: {  	[tilespmem:$0x18F10] =	vst v1  }
0xa5: {  	[tilespmem:$0x18F90] =	vst v1  }
0xa6: {  	[tilespmem:$0x19010] =	vst v1  }
0xa7: {  	[tilespmem:$0x19090] =	vst v1  }
0xa8: {  	[tilespmem:$0x19110] =	vst v1  }
0xa9: {  	[tilespmem:$0x19190] =	vst v1  }
0xaa: {  	[tilespmem:$0x19210] =	vst v1  }
0xab: {  	[tilespmem:$0x19290] =	vst v1  }
0xac: {  	[tilespmem:$0x19310] =	vst v1  }
0xad: {  	[tilespmem:$0x19390] =	vst v1  }
0xae: {  	[tilespmem:$0x19410] =	vst v1  }
0xaf: {  	s0 =	simm.s32 $0x0;
	s2 =	simm.s32 $0x200;
	[tilespmem:$0x19490] =	vst v1  }
.LBB2_4:
0xb0: {  	p0 =	sne.s32 s2, $0x4E00;
	[tilespmem:s0+$0x19570] =	vst v0  }
0xb1: {  	[tilespmem:s0+$0x19510] =	vst v1  }
.Ltmp3:
0xb2: {  	[tilespmem:s0+$0x19520] =	vst v0;
	(pc) =	sbr.rel @p0 .LBB2_4-.Ltmp3, $4  }
0xb3: {  	[tilespmem:s0+$0x19530] =	vst v0  }
0xb4: {  	[tilespmem:s0+$0x19540] =	vst v0  }
0xb5: {  	[tilespmem:s0+$0x19550] =	vst v0  }
0xb6: {  	[tilespmem:s0+$0x19560] =	vst v0;
	s0 =	sshra.s32 s2, $0x2;
	s2 =	sadd.s32 $0x200, s2  }
0xb7: {  	[tilespmem:s0+$0x19570] =	vst v0  }
0xb8: {  	[tilespmem:s0+$0x19510] =	vst v1  }
0xb9: {  	[tilespmem:s0+$0x19520] =	vst v0  }
0xba: {  	[tilespmem:s0+$0x19530] =	vst v0  }
0xbb: {  	[tilespmem:s0+$0x19540] =	vst v0  }
0xbc: {  	[tilespmem:s0+$0x19550] =	vst v0  }
0xbd: {  	[tilespmem:s0+$0x19560] =	vst v0  }
0xbe: {  	[bflag:$0x0] =	sbarrier.arrive $0xFFFF  }
0xbf: {  	s21 =	rddreg [dreg:$0x9]  }
0xc0: {  	s20 =	simm.s32 $0x0;
	s2 =	simm.s32 $0x14000;
	s22 =	rddreg [dreg:$0xa]  }
0xc1: {  	[tilespmem:s2], [sflag:$0x1] =	stream.linear.gather [hbm4b:s21+s20], $0xA0, $0x38;
	[tilespmem:$0x1A900] =	vst v63  }
0xc2: {  	s23 =	rddreg [dreg:$0xb];
	s21 =	simm.s32 $0x14400  }
0xc3: {  	[tilespmem:s21], [sflag:$0x1] =	stream.linear.gather [hbm4b:s22+s20], $0xA00, $0x38;
	[tilespmem:$0x1A900] =	vst v63  }
0xc4: {  	s24 =	simm.s32 $0x140A0;
	s25 =	rddreg [dreg:$0xc]  }
0xc5: {  	[tilespmem:s24], [sflag:$0x2] =	stream.linear.gather [hbm4b:s23+s20], $0xA0, $0x38;
	[tilespmem:$0x1A900] =	vst v63  }
0xc6: {  	s26 =	simm.s32 $0x14E00;
	s28 =	rddreg [dreg:$0xd]  }
0xc7: {  	[tilespmem:s26], [sflag:$0x2] =	stream.linear.gather [hbm4b:s25+s20], $0xA00, $0x38;
	[tilespmem:$0x1A900] =	vst v63  }
0xc8: {  	s29 =	simm.s32 $0x14140;
	s30 =	rddreg [dreg:$0xe]  }
0xc9: {  	[tilespmem:s29], [sflag:$0x3] =	stream.linear.gather [hbm4b:s28+s20], $0xA0, $0x38;
	[tilespmem:$0x1A900] =	vst v63  }
0xca: {  	s31 =	simm.s32 $0x15800;
	s9 =	rddreg [dreg:$0x10]  }
0xcb: {  	[tilespmem:s31], [sflag:$0x3] =	stream.linear.gather [hbm4b:s30+s20], $0xA00, $0x38;
	[tilespmem:$0x1A900] =	vst v63  }
0xcc: {  	s7 =	simm.s32 $0x141E0;
	s2 =	rddreg [dreg:$0xf]  }
0xcd: {  	[tilespmem:s7], [sflag:$0x4] =	stream.linear.gather [hbm4b:s2+s20], $0xA0, $0x38;
	[tilespmem:$0x1A900] =	vst v63  }
0xce: {  	s22 =	simm.s32 $0x16200;
	s23 =	rddreg [dreg:$0x11]  }
0xcf: {  	[tilespmem:s22], [sflag:$0x4] =	stream.linear.gather [hbm4b:s9+s20], $0xA00, $0x38;
	[tilespmem:$0x1A900] =	vst v63  }
0xd0: {  	s24 =	simm.s32 $0x14280;
	s25 =	rddreg [dreg:$0x12]  }
0xd1: {  	[tilespmem:s24], [sflag:$0x5] =	stream.linear.gather [hbm4b:s23+s20], $0xA0, $0x38;
	[tilespmem:$0x1A900] =	vst v63  }
0xd2: {  	s26 =	simm.s32 $0x16C00;
	s28 =	rddreg [dreg:$0x13]  }
0xd3: {  	[tilespmem:s26], [sflag:$0x5] =	stream.linear.gather [hbm4b:s25+s20], $0xA00, $0x38;
	[tilespmem:$0x1A900] =	vst v63  }
0xd4: {  	s29 =	simm.s32 $0x14320;
	s30 =	rddreg [dreg:$0x14];
	s31 =	simm.s32 $0x17600  }
0xd5: {  	[tilespmem:s29], [sflag:$0x6] =	stream.linear.gather [hbm4b:s28+s20], $0xA0, $0x38;
	[tilespmem:$0x1A900] =	vst v63  }
0xd6: {  	s22 =	simm.s32 $0x14680;
	s23 =	simm.s32 $0x14900;
	s24 =	simm.s32 $0x14B80  }
0xd7: {  	[tilespmem:s31], [sflag:$0x6] =	stream.linear.gather [hbm4b:s30+s20], $0xA00, $0x38;
	[tilespmem:$0x1A900] =	vst v63  }
.LBB2_6:
0xd8: {  	s0 =	smul.u32 $0xAB, s20;
	_ =	sdelay $0x1  }
0xd9: {  	s0 =	sshrl.u32 s0, $0xA  }
0xda: {  	s0 =	sand.u32 $0x3F, s0  }
0xdb: {  	s0 =	smul.u32 $0x6, s0;
	_ =	sdelay $0x1  }
0xdc: {  	s0 =	ssub.s32 s20, s0  }
0xdd: {  	s0 =	sand.u32 $0xFF, s0  }
0xde: {  	s25 =	sadd.s32 $0x1, s0  }
0xdf: {  	_ =	swait.ge [sflag:s25], $0xA0  }
0xe0: {  	[sflag:s25] =	ssyncset.done $0x0  }
0xe1: {  	[sflag:s25] =	ssyncadd.s32 $0xFFFFFF60  }
0xe2: {  	_ =	swait.ge [sflag:s25], $0xA00  }
0xe3: {  	p0 =	seq.s32 s20, $0x0;
	[sflag:s25] =	ssyncset.done $0x0  }
0xe4: {  	s2 =	simm.s32 @!p0 $0x7;
	[sflag:s25] =	ssyncadd.s32 $0xFFFFF600  }
0xe5: {  	_ =	swait.ge @!p0 [sflag:s2], $0x1400  }
0xe6: {  	s29 =	smul.u32 $0xA0, s0;
	[sflag:s2] =	ssyncset.done @!p0 $0x0  }
0xe7: {  	[sflag:s2] =	ssyncadd.s32 @!p0 $0xFFFFEC00  }
0xe8: {  	v2 =	vld [tilespmem:s29+$0x14000];
	_ =	sdelay $0x4  }
0xe9: {  	[tilespmem:$0x18000] =	vst v2  }
0xea: {  	s7 =	smulhi.u32 $0xAAAAAAAB, s20;
	v2 =	vld [tilespmem:s29+$0x14010];
	_ =	sdelay $0x1  }
0xeb: {  	s2 =	sshrl.u32 s7, $0x2  }
0xec: {  	s2 =	smul.u32 $0xFFFF1000, s2;
	_ =	sdelay $0x1  }
0xed: {  	s2 =	sshra.s32 s2, $0x2;
	[tilespmem:$0x18010] =	vst v2  }
0xee: {  	s7 =	sadd.s32 s2, s21;
	v3 =	vld [tilespmem:s29+$0x14018]  }
0xef: {  	v2 =	vmov s7;
	_ =	sdelay $0x3  }
0xf0: {  	s9 =	simm.s32 $0x0;
	[tilespmem:$0x18018] =	vst v3  }
0xf1: {  	v3 =	vld.idx.msk [tilespmem:v2+s9+$0x0 ss:$0x1], $0xffff;
	_ =	sdelay $0x1  }
0xf2: {  	s26 =	smul.u32 $0x2800, s0  }
0xf3: {  	s28 =	sor.u32 $0x14000, s29;
	s30 =	sadd.s32 s2, s24;
	s31 =	sadd.s32 s2, s23  }
0xf4: {  	s0 =	sadd.s32 s2, s22;
	s2 =	simm.s32 $0x18100;
	s7 =	sshrl.u32 s26, $0x2  }
0xf5: {  	s26 =	sadd.s32 $0x14400, s7;
	s7 =	simm.s32 $0x80;
	s9 =	simm.s32 $0x10;
	[tilespmem:s2+$0x0] =	vst v3  }
.LBB2_7:
0xf6: {  	p1 =	sne.s32 s7, $0x9C0;
	v3 =	vld.idx.msk [tilespmem:v2+s9+$0x0 ss:$0x1], $0xffff;
	_ =	sdelay $0x1  }
.Ltmp4:
0xf7: {  	(pc) =	sbr.rel @p1 .LBB2_7-.Ltmp4, $3  }
0xf8: {  	_ =	sdelay $0x1  }
0xf9: {  	s2 =	sadd.s32 $0x80, s2  }
0xfa: {  	s9 =	sshra.s32 s7, $0x2;
	s7 =	sadd.s32 $0x40, s7;
	[tilespmem:s2+$0x0] =	vst v3  }
0xfb: {  	_ =	sdelay $0x3  }
0xfc: {  	v2 =	vld.idx.msk [tilespmem:v2+s9+$0x0 ss:$0x1], $0xffff;
	_ =	sdelay $0x3  }
0xfd: {  	s2 =	sadd.s32 $0x80, s2  }
0xfe: {  	[tilespmem:s2+$0x0] =	vst v2;
	s2 =	simm.s32 @!p0 $0x8  }
0xff: {  	[spmem:s1] =	stream.indirect.scatter.add.f32 [tilespmem:s12], [sflag:$0x7], $0x80, s15, s14, $0xb8;
	[tilespmem:$0x1A900] =	vst v63  }
0x100: {  	_ =	swait.ge @!p0 [sflag:s2], $0x1400  }
0x101: {  	[sflag:s2] =	ssyncset.done @!p0 $0x0  }
0x102: {  	[sflag:s2] =	ssyncadd.s32 @!p0 $0xFFFFEC00  }
0x103: {  	v2 =	vld [tilespmem:s29+$0x14028];
	_ =	sdelay $0x4  }
0x104: {  	[tilespmem:$0x18080] =	vst v2  }
0x105: {  	v2 =	vld [tilespmem:s29+$0x14038];
	_ =	sdelay $0x4  }
0x106: {  	[tilespmem:$0x18090] =	vst v2  }
0x107: {  	v3 =	vld [tilespmem:s29+$0x14040]  }
0x108: {  	v2 =	vmov s0;
	_ =	sdelay $0x3  }
0x109: {  	s9 =	simm.s32 $0x0;
	[tilespmem:$0x18098] =	vst v3  }
0x10a: {  	v3 =	vld.idx.msk [tilespmem:v2+s9+$0x0 ss:$0x1], $0xffff;
	_ =	sdelay $0x3  }
0x10b: {  	s0 =	simm.s32 $0x19500  }
0x10c: {  	s7 =	simm.s32 $0x10;
	s2 =	simm.s32 $0x80;
	[tilespmem:s0+$0x0] =	vst v3  }
.LBB2_9:
0x10d: {  	p0 =	sne.s32 s2, $0x9C0;
	v3 =	vld.idx.msk [tilespmem:v2+s7+$0x0 ss:$0x1], $0xffff;
	_ =	sdelay $0x1  }
.Ltmp5:
0x10e: {  	(pc) =	sbr.rel @p0 .LBB2_9-.Ltmp5, $3  }
0x10f: {  	_ =	sdelay $0x1  }
0x110: {  	s0 =	sadd.s32 $0x80, s0  }
0x111: {  	s7 =	sshra.s32 s2, $0x2;
	s2 =	sadd.s32 $0x40, s2;
	[tilespmem:s0+$0x0] =	vst v3  }
0x112: {  	_ =	sdelay $0x3  }
0x113: {  	v2 =	vld.idx.msk [tilespmem:v2+s7+$0x0 ss:$0x1], $0xffff  }
0x114: {  	p0 =	seq.s32 s20, $0x3E  }
.Ltmp6:
0x115: {  	_ = 	snop;
	(pc) =	sbr.rel @p0 .LBB2_16-.Ltmp6, $4  }
0x116: {  	_ = 	snop  }
0x117: {  	s0 =	sadd.s32 $0x80, s0  }
0x118: {  	[tilespmem:s0+$0x0] =	vst v2  }
0x119: {  	[spmem:s1] =	stream.indirect.scatter.add.f32 [tilespmem:s17], [sflag:$0x8], $0x80, s16, s14, $0xb8;
	[tilespmem:$0x1A900] =	vst v63  }
0x11a: {  	_ =	swait.ge [sflag:s18], $0x1400  }
0x11b: {  	[sflag:s18] =	ssyncset.done $0x0  }
0x11c: {  	[sflag:s18] =	ssyncadd.s32 $0xFFFFEC00  }
0x11d: {  	v2 =	vld [tilespmem:s29+$0x14050];
	_ =	sdelay $0x4  }
0x11e: {  	[tilespmem:$0x18000] =	vst v2  }
0x11f: {  	v2 =	vld [tilespmem:s29+$0x14060];
	_ =	sdelay $0x4  }
0x120: {  	[tilespmem:$0x18010] =	vst v2  }
0x121: {  	v3 =	vld [tilespmem:s29+$0x14068]  }
0x122: {  	v2 =	vmov s31;
	_ =	sdelay $0x3  }
0x123: {  	s0 =	simm.s32 $0x0;
	[tilespmem:$0x18018] =	vst v3  }
0x124: {  	v3 =	vld.idx.msk [tilespmem:v2+s0+$0x0 ss:$0x1], $0xffff;
	_ =	sdelay $0x3  }
0x125: {  	s0 =	simm.s32 $0x18100  }
0x126: {  	s7 =	simm.s32 $0x10;
	s2 =	simm.s32 $0x80;
	[tilespmem:s0+$0x0] =	vst v3  }
.LBB2_12:
0x127: {  	p0 =	sne.s32 s2, $0x9C0;
	v3 =	vld.idx.msk [tilespmem:v2+s7+$0x0 ss:$0x1], $0xffff;
	_ =	sdelay $0x1  }
.Ltmp7:
0x128: {  	(pc) =	sbr.rel @p0 .LBB2_12-.Ltmp7, $3  }
0x129: {  	_ =	sdelay $0x1  }
0x12a: {  	s0 =	sadd.s32 $0x80, s0  }
0x12b: {  	s7 =	sshra.s32 s2, $0x2;
	s2 =	sadd.s32 $0x40, s2;
	[tilespmem:s0+$0x0] =	vst v3  }
0x12c: {  	_ =	sdelay $0x3  }
0x12d: {  	v2 =	vld.idx.msk [tilespmem:v2+s7+$0x0 ss:$0x1], $0xffff;
	_ =	sdelay $0x3  }
0x12e: {  	s0 =	sadd.s32 $0x80, s0  }
0x12f: {  	[tilespmem:s0+$0x0] =	vst v2  }
0x130: {  	[spmem:s1] =	stream.indirect.scatter.add.f32 [tilespmem:s12], [sflag:$0x7], $0x80, s15, s14, $0xb8;
	[tilespmem:$0x1A900] =	vst v63  }
0x131: {  	_ =	swait.ge [sflag:s19], $0x1400  }
0x132: {  	[sflag:s19] =	ssyncset.done $0x0  }
0x133: {  	[sflag:s19] =	ssyncadd.s32 $0xFFFFEC00  }
0x134: {  	v2 =	vld [tilespmem:s29+$0x14078];
	_ =	sdelay $0x4  }
0x135: {  	[tilespmem:$0x18080] =	vst v2  }
0x136: {  	v2 =	vld [tilespmem:s29+$0x14088];
	_ =	sdelay $0x4  }
0x137: {  	[tilespmem:$0x18090] =	vst v2  }
0x138: {  	v3 =	vld [tilespmem:s29+$0x14090]  }
0x139: {  	v2 =	vmov s30;
	_ =	sdelay $0x3  }
0x13a: {  	s31 =	simm.s32 $0x0;
	[tilespmem:$0x18098] =	vst v3  }
0x13b: {  	v3 =	vld.idx.msk [tilespmem:v2+s31+$0x0 ss:$0x1], $0xffff;
	_ =	sdelay $0x3  }
0x13c: {  	s0 =	simm.s32 $0x19500  }
0x13d: {  	s7 =	simm.s32 $0x10;
	s2 =	simm.s32 $0x80;
	[tilespmem:s0+$0x0] =	vst v3  }
.LBB2_14:
0x13e: {  	p0 =	sne.s32 s2, $0x9C0;
	v3 =	vld.idx.msk [tilespmem:v2+s7+$0x0 ss:$0x1], $0xffff;
	_ =	sdelay $0x1  }
.Ltmp8:
0x13f: {  	(pc) =	sbr.rel @p0 .LBB2_14-.Ltmp8, $3  }
0x140: {  	_ =	sdelay $0x1  }
0x141: {  	s0 =	sadd.s32 $0x80, s0  }
0x142: {  	s7 =	sshra.s32 s2, $0x2;
	s2 =	sadd.s32 $0x40, s2;
	[tilespmem:s0+$0x0] =	vst v3  }
0x143: {  	_ =	sdelay $0x3  }
0x144: {  	v2 =	vld.idx.msk [tilespmem:v2+s7+$0x0 ss:$0x1], $0xffff;
	_ =	sdelay $0x3  }
0x145: {  	s0 =	sadd.s32 $0x80, s0;
	p0 =	sgt.u32 s20, $0x38  }
0x146: {  	[tilespmem:s0+$0x0] =	vst v2;
	s0 =	smul.u32 @!p0 $0xA0, s20  }
0x147: {  	[spmem:s1] =	stream.indirect.scatter.add.f32 [tilespmem:s17], [sflag:$0x8], $0x80, s16, s14, $0xb8;
	[tilespmem:$0x1A900] =	vst v63  }
0x148: {  	s0 =	sadd.s32 @!p0 s0, s6  }
0x149: {  	s2 =	sshrl.u32 @!p0 s0, $0x3;
	s0 =	sshll.u32 @!p0 s0, $0x1  }
0x14a: {  	s7 =	simm.s32 @!p0 $0x0;
	s2 =	sadd.s32 @!p0 s4, s2;
	s0 =	sand.u32 @!p0 $0x1FFFFFE0, s0  }
0x14b: {  	[tilespmem:s28], [sflag:s25] =	stream.linear.gather @!p0 [hbm4b:s2+s7], $0xA0, $0x38;
	[tilespmem:$0x1A900] =	vst v63  }
0x14c: {  	s20 =	sadd.s32 $0x1, s20;
	s0 =	sadd.s32 @!p0 s5, s0  }
0x14d: {  	[tilespmem:s26], [sflag:s25] =	stream.linear.gather @!p0 [hbm4b:s0+s7], $0xA00, $0x38;
	[tilespmem:$0x1A900] =	vst v63  }
0x14e: {  	p0 =	sne.s32 s20, $0x3F  }
.Ltmp9:
0x14f: {  	_ = 	snop;
	(pc) =	sbr.rel @p0 .LBB2_6-.Ltmp9, $4  }
.Ltmp10:
0x150: {  	_ = 	snop;
	(pc) =	sbr.rel @!p0 .LBB2_16-.Ltmp10, $4  }
0x151: {  	_ = 	snop  }
0x152: {  	s21 =	sadd.s32 $0xA00, s21  }
0x153: {  	s22 =	sadd.s32 $0xA00, s22;
	s23 =	sadd.s32 $0xA00, s23;
	s24 =	sadd.s32 $0xA00, s24  }
0x154: {  	_ = 	snop  }
.LBB2_17:
0x155: {  	_ =	sfence.sel $0x180000  }
0x156: {  	[bflag:$0x0] =	sbarrier.arrive $0xFFFF  }
0x157: {  	_ =	strace $0x90000047  }
0x158: {  	s0 =	stileid.u32;
	[bflag:$0x2] =	sbarrier.arrive $0xFFFF  }
0x159: {  	p0 =	sne.s32 s0, $0x0;
	s0 =	rddreg [dreg:$0x2]  }
0x15a: {  	s0 =	sadd.s32 @!p0 $0x100000, s0  }
0x15b: {  	[sflag:s0] =	ssyncadd.tile.s32 @!p0 $0x1;
	_ =	shalt  }
.Lfunc_end2:
_tile_overlayer_lowered:
.L_overlay_start_2:
0x15c: {  	(tag) =	ssettag $0x2  }
0x15d: {  	s0 =	rddreg [dreg:$0x0];
	s2 =	stileid.u32  }
0x15e: {  	s1 =	rddreg [dreg:$0x1];
	p0 =	sne.s32 s2, $0x0  }
0x15f: {  	s3 =	rddreg [dreg:$0x2];
	[bflag:$0x3] =	sbarrier.arrive $0xFFFF;
	s2 =	simm.s32 @!p0 $0x1C09  }
0x160: {  	[timem:s3], [sflag:s2] =	dma.local @!p0 [hbm:s0], s1  }
0x161: {  	s0 =	simm.s32 @!p0 $0x9  }
0x162: {  	_ =	swait.ge @!p0 [sflag:s0], s1  }
0x163: {  	s1 =	ssub.s32 @!p0 $0x0, s1;
	[sflag:s0] =	ssyncset.done @!p0 $0x0  }
0x164: {  	[sflag:s0] =	ssyncadd.s32 @!p0 s1  }
0x165: {  	[bflag:$0x3] =	sbarrier.arrive $0xFFFF  }
0x166: {  	_ =	shalt  }

</sc_bundles>
